<compile_context>
chip_gen: v7x
topology: tpu7x:2x2x1
jax: 0.10.2.dev20260603
libtpu: 0.0.44.dev20260713+nightly
codegen_flags: <defaults>
</compile_context>

<pallas_src>
import functools

import jax
import jax.numpy as jnp
from jax import lax
from jax.experimental import pallas as pl
from jax.experimental.pallas import tpu as pltpu
from jax.experimental.pallas import tpu_sc as plsc

_K = 8
_LANES = 16


@functools.cache
def _build(B, V, D):
    info = plsc.get_sparse_core_info()
    n_workers = info.num_cores * info.num_subcores
    b_per_w = B // n_workers
    n_batches = b_per_w // _K
    mesh = plsc.VectorSubcoreMesh(core_axis_name="c", subcore_axis_name="s")

    @functools.partial(
        pl.kernel,
        mesh=mesh,
        out_type=jax.ShapeDtypeStruct((D, B), jnp.float32),
        scratch_types=[
            pltpu.VMEM((b_per_w,), jnp.int32),
            pltpu.VMEM((D, _K * 128), jnp.float32),
            pltpu.VMEM((D, _K * 128), jnp.float32),
            pltpu.VMEM((D, b_per_w), jnp.float32),
            pltpu.SemaphoreType.DMA,
            pltpu.SemaphoreType.DMA,
        ],
        compiler_params=pltpu.CompilerParams(needs_layout_passes=False),
    )
    def gather_kernel(idx_hbm, table_hbm, out_hbm, idx_v, win_a, win_b,
                      out_v, sem_a, sem_b):
        wid = lax.axis_index("s") * info.num_cores + lax.axis_index("c")
        base = wid * b_per_w
        pltpu.sync_copy(idx_hbm.at[pl.ds(base, b_per_w)], idx_v)

        wins = [win_a, win_b]
        sems = [sem_a, sem_b]
        lane_iota = lax.iota(jnp.int32, _LANES)

        def fire(vec, side):
            for k in range(_K):
                c = vec[side * _K + k]
                cb = pl.multiple_of((c >> 7) << 7, 128)
                for half in range(2):
                    pltpu.async_copy(
                        table_hbm.at[pl.ds(half * D // 2, D // 2),
                                     pl.ds(cb, 128)],
                        wins[side].at[pl.ds(half * D // 2, D // 2),
                                      pl.ds(k * 128, 128)],
                        sems[side],
                    )

        def drain(side):
            pltpu.make_async_copy(
                table_hbm.at[:, pl.ds(0, _K * 128)],
                wins[side], sems[side]).wait()

        def extract(vec, b, side):
            win = wins[side]
            for k in range(_K):
                c = vec[side * _K + k]
                lane = jnp.broadcast_to((c & 127) + k * 128, (_LANES,))
                col = jnp.broadcast_to(b * _K + k, (_LANES,))
                for h in range(D // _LANES):
                    rows = lane_iota + h * _LANES
                    vals = plsc.load_gather(win, [rows, lane])
                    plsc.store_scatter(out_v, [rows, col], vals)

        vec0 = idx_v[pl.ds(0, 2 * _K)]
        fire(vec0, 0)
        fire(vec0, 1)

        def body(g, carry):
            vec = idx_v[pl.ds(g * 2 * _K, 2 * _K)]
            nxt = idx_v[pl.ds(
                jnp.minimum(g + 1, n_batches // 2 - 1) * 2 * _K, 2 * _K)]
            for side in range(2):
                b = g * 2 + side
                drain(side)
                extract(vec, b, side)

                @pl.when(b + 2 < n_batches)
                def _():
                    fire(nxt, side)
            return carry

        lax.fori_loop(0, n_batches // 2, body, 0)
        pltpu.sync_copy(out_v, out_hbm.at[:, pl.ds(base, b_per_w)])

    return gather_kernel


def kernel(class_labels, embedding):
    B, = class_labels.shape
    V, D = embedding.shape
    out_t = _build(B, V, D)(class_labels.astype(jnp.int32), embedding.T)
    return out_t.T

# --- scband reference (transcript-rebuilt; emitter-appended) ---
"""Pipeline reference for scband-class-condition-encoder-70068096467089 (READ-ONLY COPY).

The authoritative reference and input builder live on the scoring server;
editing this copy changes nothing except your own understanding.
"""

import jax, jax.numpy as jnp
import numpy as np

NUM_CLASSES = 1000000
EMBED_DIM = 32
BATCH = 16384


def setup_inputs(seed: int = 0) -> dict:
    key = jax.random.key(seed)
    k_idx, k_emb = jax.random.split(key)
    class_labels = jax.random.randint(k_idx, (BATCH,), 0, NUM_CLASSES, dtype=jnp.int64 if jax.config.jax_enable_x64 else jnp.int32)
    embedding = jax.random.normal(k_emb, (NUM_CLASSES, EMBED_DIM), dtype=jnp.float32)
    return {"class_labels": class_labels, "embedding": embedding}


def reference(class_labels, embedding):
    # nn.Embedding forward: row gather from embedding table
    return jnp.take(embedding, class_labels, axis=0)

if __name__ == "__main__":
    import jax
    _d = setup_inputs()
    print(jax.jit(kernel)(*tuple(_d.values())))

</pallas_src>

<mosaic_0001>
#map = affine_map<(d0, d1) -> (0)>
#map1 = affine_map<(d0, d1) -> (0, 0)>
module attributes {stable_mosaic.version = 14 : i64} {
  func.func @gather_kernel(%arg0: i32, %arg1: i32, %arg2: memref<16384xi32, #tpu.memory_space<hbm>>, %arg3: memref<32x1000000xf32, #tpu.memory_space<hbm>>, %arg4: memref<32x16384xf32, #tpu.memory_space<hbm>>, %arg5: memref<512xi32, #tpu.memory_space<vmem>>, %arg6: memref<32x1024xf32, #tpu.memory_space<vmem>>, %arg7: memref<32x1024xf32, #tpu.memory_space<vmem>>, %arg8: memref<32x512xf32, #tpu.memory_space<vmem>>, %arg9: memref<!tpu.dma_semaphore, #tpu.memory_space<semaphore_mem>>, %arg10: memref<!tpu.dma_semaphore, #tpu.memory_space<semaphore_mem>>) attributes {dimension_semantics = [#tpu.dimension_semantics<core_parallel>, #tpu.dimension_semantics<subcore_parallel>], iteration_bounds = array<i64: 2, 16>, scalar_prefetch = 0 : i64, scratch_operands = 6 : i64, tpu.core_type = #tpu.core_type<sc_vector_subcore>, window_params = [{transform_indices = #map}, {transform_indices = #map1}, {transform_indices = #map1}]} {
    %mul3A = arith.constant 2 : i32
    %mul3A_0 = arith.muli %arg1, %mul3A : i32
    %add3A = arith.addi %mul3A_0, %arg0 : i32
    %mul3A_1 = arith.constant 512 : i32
    %mul3A_2 = arith.muli %add3A, %mul3A_1 : i32
    "tpu.region"() ({
      %run_scoped3A = tpu.sem_alloc : memref<!tpu.dma_semaphore, #tpu.memory_space<semaphore_mem>>
      %dma_start3A_435 = tpu.memref_slice %arg2[%mul3A_2] : memref<16384xi32, #tpu.memory_space<hbm>> -> memref<512xi32, #tpu.memory_space<hbm>>
      %dma_start3A_436 = tpu.memref_slice %arg2[%mul3A_2] : memref<16384xi32, #tpu.memory_space<hbm>> -> memref<512xi32, #tpu.memory_space<hbm>>
      tpu.enqueue_dma source(%dma_start3A_436 : memref<512xi32, #tpu.memory_space<hbm>>) target(%arg5 : memref<512xi32, #tpu.memory_space<vmem>>) target_semaphore(%run_scoped3A : memref<!tpu.dma_semaphore, #tpu.memory_space<semaphore_mem>>)
      %dma_wait3A = tpu.memref_slice %arg2[%mul3A_2] : memref<16384xi32, #tpu.memory_space<hbm>> -> memref<512xi32, #tpu.memory_space<hbm>>
      %dma_wait3A_437 = tpu.memref_slice %arg2[%mul3A_2] : memref<16384xi32, #tpu.memory_space<hbm>> -> memref<512xi32, #tpu.memory_space<hbm>>
      tpu.wait_dma2 semaphore(%run_scoped3A : memref<!tpu.dma_semaphore, #tpu.memory_space<semaphore_mem>>) src(%dma_wait3A_437 : memref<512xi32, #tpu.memory_space<hbm>>) dst(%arg5 : memref<512xi32, #tpu.memory_space<vmem>>)
      tpu.yield
    }) : () -> ()
    %iota3A = tpu.iota {dimensions = array<i32: 0>} : vector<16xi32>
    %get3A = arith.constant 0 : index
    %get3A_3 = tpu.vector_load %arg5[%get3A] {strides = array<i32>} : memref<512xi32, #tpu.memory_space<vmem>>, vector<16xi32>,
    %slice3A = vector.extract_strided_slice %get3A_3 {offsets = [0], sizes = [1], strides = [1]} : vector<16xi32> to vector<1xi32>
    %squeeze3A = vector.extract %slice3A[0] : i32 from vector<1xi32>
    %shift_right_arithmetic3A = arith.constant 7 : i32
    %shift_right_arithmetic3A_4 = arith.shrsi %squeeze3A, %shift_right_arithmetic3A : i32
    %shift_left3A = arith.constant 7 : i32
    %shift_left3A_5 = arith.shli %shift_right_arithmetic3A_4, %shift_left3A : i32
    %multiple_of3A = tpu.assume_multiple %shift_left3A_5, 128 : i32
    %dma_start3A = arith.constant 0 : i32
    %dma_start3A_6 = arith.constant 0 : i32
    %dma_start3A_7 = tpu.memref_slice %arg6[%dma_start3A, %dma_start3A_6] : memref<32x1024xf32, #tpu.memory_space<vmem>> -> memref<16x128xf32, #tpu.memory_space<vmem>>
    %dma_start3A_8 = arith.constant 0 : i32
    %dma_start3A_9 = tpu.memref_slice %arg3[%dma_start3A_8, %multiple_of3A] : memref<32x1000000xf32, #tpu.memory_space<hbm>> -> memref<16x128xf32, #tpu.memory_space<hbm>>
    %dma_start3A_10 = arith.constant 0 : i32
    %dma_start3A_11 = arith.constant 0 : i32
    %dma_start3A_12 = tpu.memref_slice %arg6[%dma_start3A_10, %dma_start3A_11] : memref<32x1024xf32, #tpu.memory_space<vmem>> -> memref<16x128xf32, #tpu.memory_space<vmem>>
    %dma_start3A_13 = arith.constant 0 : i32
    %dma_start3A_14 = tpu.memref_slice %arg3[%dma_start3A_13, %multiple_of3A] : memref<32x1000000xf32, #tpu.memory_space<hbm>> -> memref<16x128xf32, #tpu.memory_space<hbm>>
    tpu.enqueue_dma source(%dma_start3A_14 : memref<16x128xf32, #tpu.memory_space<hbm>>) target(%dma_start3A_12 : memref<16x128xf32, #tpu.memory_space<vmem>>) target_semaphore(%arg9 : memref<!tpu.dma_semaphore, #tpu.memory_space<semaphore_mem>>)
    %dma_start3A_15 = arith.constant 16 : i32
    %dma_start3A_16 = arith.constant 0 : i32
    %dma_start3A_17 = tpu.memref_slice %arg6[%dma_start3A_15, %dma_start3A_16] : memref<32x1024xf32, #tpu.memory_space<vmem>> -> memref<16x128xf32, #tpu.memory_space<vmem>>
    %dma_start3A_18 = arith.constant 16 : i32
    %dma_start3A_19 = tpu.memref_slice %arg3[%dma_start3A_18, %multiple_of3A] : memref<32x1000000xf32, #tpu.memory_space<hbm>> -> memref<16x128xf32, #tpu.memory_space<hbm>>
    %dma_start3A_20 = arith.constant 16 : i32
    %dma_start3A_21 = arith.constant 0 : i32
    %dma_start3A_22 = tpu.memref_slice %arg6[%dma_start3A_20, %dma_start3A_21] : memref<32x1024xf32, #tpu.memory_space<vmem>> -> memref<16x128xf32, #tpu.memory_space<vmem>>
    %dma_start3A_23 = arith.constant 16 : i32
    %dma_start3A_24 = tpu.memref_slice %arg3[%dma_start3A_23, %multiple_of3A] : memref<32x1000000xf32, #tpu.memory_space<hbm>> -> memref<16x128xf32, #tpu.memory_space<hbm>>
    tpu.enqueue_dma source(%dma_start3A_24 : memref<16x128xf32, #tpu.memory_space<hbm>>) target(%dma_start3A_22 : memref<16x128xf32, #tpu.memory_space<vmem>>) target_semaphore(%arg9 : memref<!tpu.dma_semaphore, #tpu.memory_space<semaphore_mem>>)
    %slice3A_25 = vector.extract_strided_slice %get3A_3 {offsets = [1], sizes = [1], strides = [1]} : vector<16xi32> to vector<1xi32>
    %squeeze3A_26 = vector.extract %slice3A_25[0] : i32 from vector<1xi32>
    %shift_right_arithmetic3A_27 = arith.constant 7 : i32
    %shift_right_arithmetic3A_28 = arith.shrsi %squeeze3A_26, %shift_right_arithmetic3A_27 : i32
    %shift_left3A_29 = arith.constant 7 : i32
    %shift_left3A_30 = arith.shli %shift_right_arithmetic3A_28, %shift_left3A_29 : i32
    %multiple_of3A_31 = tpu.assume_multiple %shift_left3A_30, 128 : i32
    %dma_start3A_32 = arith.constant 0 : i32
    %dma_start3A_33 = arith.constant 128 : i32
    %dma_start3A_34 = tpu.memref_slice %arg6[%dma_start3A_32, %dma_start3A_33] : memref<32x1024xf32, #tpu.memory_space<vmem>> -> memref<16x128xf32, #tpu.memory_space<vmem>>
    %dma_start3A_35 = arith.constant 0 : i32
    %dma_start3A_36 = tpu.memref_slice %arg3[%dma_start3A_35, %multiple_of3A_31] : memref<32x1000000xf32, #tpu.memory_space<hbm>> -> memref<16x128xf32, #tpu.memory_space<hbm>>
    %dma_start3A_37 = arith.constant 0 : i32
    %dma_start3A_38 = arith.constant 128 : i32
    %dma_start3A_39 = tpu.memref_slice %arg6[%dma_start3A_37, %dma_start3A_38] : memref<32x1024xf32, #tpu.memory_space<vmem>> -> memref<16x128xf32, #tpu.memory_space<vmem>>
    %dma_start3A_40 = arith.constant 0 : i32
    %dma_start3A_41 = tpu.memref_slice %arg3[%dma_start3A_40, %multiple_of3A_31] : memref<32x1000000xf32, #tpu.memory_space<hbm>> -> memref<16x128xf32, #tpu.memory_space<hbm>>
    tpu.enqueue_dma source(%dma_start3A_41 : memref<16x128xf32, #tpu.memory_space<hbm>>) target(%dma_start3A_39 : memref<16x128xf32, #tpu.memory_space<vmem>>) target_semaphore(%arg9 : memref<!tpu.dma_semaphore, #tpu.memory_space<semaphore_mem>>)
    %dma_start3A_42 = arith.constant 16 : i32
    %dma_start3A_43 = arith.constant 128 : i32
    %dma_start3A_44 = tpu.memref_slice %arg6[%dma_start3A_42, %dma_start3A_43] : memref<32x1024xf32, #tpu.memory_space<vmem>> -> memref<16x128xf32, #tpu.memory_space<vmem>>
    %dma_start3A_45 = arith.constant 16 : i32
    %dma_start3A_46 = tpu.memref_slice %arg3[%dma_start3A_45, %multiple_of3A_31] : memref<32x1000000xf32, #tpu.memory_space<hbm>> -> memref<16x128xf32, #tpu.memory_space<hbm>>
    %dma_start3A_47 = arith.constant 16 : i32
    %dma_start3A_48 = arith.constant 128 : i32
    %dma_start3A_49 = tpu.memref_slice %arg6[%dma_start3A_47, %dma_start3A_48] : memref<32x1024xf32, #tpu.memory_space<vmem>> -> memref<16x128xf32, #tpu.memory_space<vmem>>
    %dma_start3A_50 = arith.constant 16 : i32
    %dma_start3A_51 = tpu.memref_slice %arg3[%dma_start3A_50, %multiple_of3A_31] : memref<32x1000000xf32, #tpu.memory_space<hbm>> -> memref<16x128xf32, #tpu.memory_space<hbm>>
    tpu.enqueue_dma source(%dma_start3A_51 : memref<16x128xf32, #tpu.memory_space<hbm>>) target(%dma_start3A_49 : memref<16x128xf32, #tpu.memory_space<vmem>>) target_semaphore(%arg9 : memref<!tpu.dma_semaphore, #tpu.memory_space<semaphore_mem>>)
    %slice3A_52 = vector.extract_strided_slice %get3A_3 {offsets = [2], sizes = [1], strides = [1]} : vector<16xi32> to vector<1xi32>
    %squeeze3A_53 = vector.extract %slice3A_52[0] : i32 from vector<1xi32>
    %shift_right_arithmetic3A_54 = arith.constant 7 : i32
    %shift_right_arithmetic3A_55 = arith.shrsi %squeeze3A_53, %shift_right_arithmetic3A_54 : i32
    %shift_left3A_56 = arith.constant 7 : i32
    %shift_left3A_57 = arith.shli %shift_right_arithmetic3A_55, %shift_left3A_56 : i32
    %multiple_of3A_58 = tpu.assume_multiple %shift_left3A_57, 128 : i32
    %dma_start3A_59 = arith.constant 0 : i32
    %dma_start3A_60 = arith.constant 256 : i32
    %dma_start3A_61 = tpu.memref_slice %arg6[%dma_start3A_59, %dma_start3A_60] : memref<32x1024xf32, #tpu.memory_space<vmem>> -> memref<16x128xf32, #tpu.memory_space<vmem>>
    %dma_start3A_62 = arith.constant 0 : i32
    %dma_start3A_63 = tpu.memref_slice %arg3[%dma_start3A_62, %multiple_of3A_58] : memref<32x1000000xf32, #tpu.memory_space<hbm>> -> memref<16x128xf32, #tpu.memory_space<hbm>>
    %dma_start3A_64 = arith.constant 0 : i32
    %dma_start3A_65 = arith.constant 256 : i32
    %dma_start3A_66 = tpu.memref_slice %arg6[%dma_start3A_64, %dma_start3A_65] : memref<32x1024xf32, #tpu.memory_space<vmem>> -> memref<16x128xf32, #tpu.memory_space<vmem>>
    %dma_start3A_67 = arith.constant 0 : i32
    %dma_start3A_68 = tpu.memref_slice %arg3[%dma_start3A_67, %multiple_of3A_58] : memref<32x1000000xf32, #tpu.memory_space<hbm>> -> memref<16x128xf32, #tpu.memory_space<hbm>>
    tpu.enqueue_dma source(%dma_start3A_68 : memref<16x128xf32, #tpu.memory_space<hbm>>) target(%dma_start3A_66 : memref<16x128xf32, #tpu.memory_space<vmem>>) target_semaphore(%arg9 : memref<!tpu.dma_semaphore, #tpu.memory_space<semaphore_mem>>)
    %dma_start3A_69 = arith.constant 16 : i32
    %dma_start3A_70 = arith.constant 256 : i32
    %dma_start3A_71 = tpu.memref_slice %arg6[%dma_start3A_69, %dma_start3A_70] : memref<32x1024xf32, #tpu.memory_space<vmem>> -> memref<16x128xf32, #tpu.memory_space<vmem>>
    %dma_start3A_72 = arith.constant 16 : i32
    %dma_start3A_73 = tpu.memref_slice %arg3[%dma_start3A_72, %multiple_of3A_58] : memref<32x1000000xf32, #tpu.memory_space<hbm>> -> memref<16x128xf32, #tpu.memory_space<hbm>>
    %dma_start3A_74 = arith.constant 16 : i32
    %dma_start3A_75 = arith.constant 256 : i32
    %dma_start3A_76 = tpu.memref_slice %arg6[%dma_start3A_74, %dma_start3A_75] : memref<32x1024xf32, #tpu.memory_space<vmem>> -> memref<16x128xf32, #tpu.memory_space<vmem>>
    %dma_start3A_77 = arith.constant 16 : i32
    %dma_start3A_78 = tpu.memref_slice %arg3[%dma_start3A_77, %multiple_of3A_58] : memref<32x1000000xf32, #tpu.memory_space<hbm>> -> memref<16x128xf32, #tpu.memory_space<hbm>>
    tpu.enqueue_dma source(%dma_start3A_78 : memref<16x128xf32, #tpu.memory_space<hbm>>) target(%dma_start3A_76 : memref<16x128xf32, #tpu.memory_space<vmem>>) target_semaphore(%arg9 : memref<!tpu.dma_semaphore, #tpu.memory_space<semaphore_mem>>)
    %slice3A_79 = vector.extract_strided_slice %get3A_3 {offsets = [3], sizes = [1], strides = [1]} : vector<16xi32> to vector<1xi32>
    %squeeze3A_80 = vector.extract %slice3A_79[0] : i32 from vector<1xi32>
    %shift_right_arithmetic3A_81 = arith.constant 7 : i32
    %shift_right_arithmetic3A_82 = arith.shrsi %squeeze3A_80, %shift_right_arithmetic3A_81 : i32
    %shift_left3A_83 = arith.constant 7 : i32
    %shift_left3A_84 = arith.shli %shift_right_arithmetic3A_82, %shift_left3A_83 : i32
    %multiple_of3A_85 = tpu.assume_multiple %shift_left3A_84, 128 : i32
    %dma_start3A_86 = arith.constant 0 : i32
    %dma_start3A_87 = arith.constant 384 : i32
    %dma_start3A_88 = tpu.memref_slice %arg6[%dma_start3A_86, %dma_start3A_87] : memref<32x1024xf32, #tpu.memory_space<vmem>> -> memref<16x128xf32, #tpu.memory_space<vmem>>
    %dma_start3A_89 = arith.constant 0 : i32
    %dma_start3A_90 = tpu.memref_slice %arg3[%dma_start3A_89, %multiple_of3A_85] : memref<32x1000000xf32, #tpu.memory_space<hbm>> -> memref<16x128xf32, #tpu.memory_space<hbm>>
    %dma_start3A_91 = arith.constant 0 : i32
    %dma_start3A_92 = arith.constant 384 : i32
    %dma_start3A_93 = tpu.memref_slice %arg6[%dma_start3A_91, %dma_start3A_92] : memref<32x1024xf32, #tpu.memory_space<vmem>> -> memref<16x128xf32, #tpu.memory_space<vmem>>
    %dma_start3A_94 = arith.constant 0 : i32
    %dma_start3A_95 = tpu.memref_slice %arg3[%dma_start3A_94, %multiple_of3A_85] : memref<32x1000000xf32, #tpu.memory_space<hbm>> -> memref<16x128xf32, #tpu.memory_space<hbm>>
    tpu.enqueue_dma source(%dma_start3A_95 : memref<16x128xf32, #tpu.memory_space<hbm>>) target(%dma_start3A_93 : memref<16x128xf32, #tpu.memory_space<vmem>>) target_semaphore(%arg9 : memref<!tpu.dma_semaphore, #tpu.memory_space<semaphore_mem>>)
    %dma_start3A_96 = arith.constant 16 : i32
    %dma_start3A_97 = arith.constant 384 : i32
    %dma_start3A_98 = tpu.memref_slice %arg6[%dma_start3A_96, %dma_start3A_97] : memref<32x1024xf32, #tpu.memory_space<vmem>> -> memref<16x128xf32, #tpu.memory_space<vmem>>
    %dma_start3A_99 = arith.constant 16 : i32
    %dma_start3A_100 = tpu.memref_slice %arg3[%dma_start3A_99, %multiple_of3A_85] : memref<32x1000000xf32, #tpu.memory_space<hbm>> -> memref<16x128xf32, #tpu.memory_space<hbm>>
    %dma_start3A_101 = arith.constant 16 : i32
    %dma_start3A_102 = arith.constant 384 : i32
    %dma_start3A_103 = tpu.memref_slice %arg6[%dma_start3A_101, %dma_start3A_102] : memref<32x1024xf32, #tpu.memory_space<vmem>> -> memref<16x128xf32, #tpu.memory_space<vmem>>
    %dma_start3A_104 = arith.constant 16 : i32
    %dma_start3A_105 = tpu.memref_slice %arg3[%dma_start3A_104, %multiple_of3A_85] : memref<32x1000000xf32, #tpu.memory_space<hbm>> -> memref<16x128xf32, #tpu.memory_space<hbm>>
    tpu.enqueue_dma source(%dma_start3A_105 : memref<16x128xf32, #tpu.memory_space<hbm>>) target(%dma_start3A_103 : memref<16x128xf32, #tpu.memory_space<vmem>>) target_semaphore(%arg9 : memref<!tpu.dma_semaphore, #tpu.memory_space<semaphore_mem>>)
    %slice3A_106 = vector.extract_strided_slice %get3A_3 {offsets = [4], sizes = [1], strides = [1]} : vector<16xi32> to vector<1xi32>
    %squeeze3A_107 = vector.extract %slice3A_106[0] : i32 from vector<1xi32>
    %shift_right_arithmetic3A_108 = arith.constant 7 : i32
    %shift_right_arithmetic3A_109 = arith.shrsi %squeeze3A_107, %shift_right_arithmetic3A_108 : i32
    %shift_left3A_110 = arith.constant 7 : i32
    %shift_left3A_111 = arith.shli %shift_right_arithmetic3A_109, %shift_left3A_110 : i32
    %multiple_of3A_112 = tpu.assume_multiple %shift_left3A_111, 128 : i32
    %dma_start3A_113 = arith.constant 0 : i32
    %dma_start3A_114 = arith.constant 512 : i32
    %dma_start3A_115 = tpu.memref_slice %arg6[%dma_start3A_113, %dma_start3A_114] : memref<32x1024xf32, #tpu.memory_space<vmem>> -> memref<16x128xf32, #tpu.memory_space<vmem>>
    %dma_start3A_116 = arith.constant 0 : i32
    %dma_start3A_117 = tpu.memref_slice %arg3[%dma_start3A_116, %multiple_of3A_112] : memref<32x1000000xf32, #tpu.memory_space<hbm>> -> memref<16x128xf32, #tpu.memory_space<hbm>>
    %dma_start3A_118 = arith.constant 0 : i32
    %dma_start3A_119 = arith.constant 512 : i32
    %dma_start3A_120 = tpu.memref_slice %arg6[%dma_start3A_118, %dma_start3A_119] : memref<32x1024xf32, #tpu.memory_space<vmem>> -> memref<16x128xf32, #tpu.memory_space<vmem>>
    %dma_start3A_121 = arith.constant 0 : i32
    %dma_start3A_122 = tpu.memref_slice %arg3[%dma_start3A_121, %multiple_of3A_112] : memref<32x1000000xf32, #tpu.memory_space<hbm>> -> memref<16x128xf32, #tpu.memory_space<hbm>>
    tpu.enqueue_dma source(%dma_start3A_122 : memref<16x128xf32, #tpu.memory_space<hbm>>) target(%dma_start3A_120 : memref<16x128xf32, #tpu.memory_space<vmem>>) target_semaphore(%arg9 : memref<!tpu.dma_semaphore, #tpu.memory_space<semaphore_mem>>)
    %dma_start3A_123 = arith.constant 16 : i32
    %dma_start3A_124 = arith.constant 512 : i32
    %dma_start3A_125 = tpu.memref_slice %arg6[%dma_start3A_123, %dma_start3A_124] : memref<32x1024xf32, #tpu.memory_space<vmem>> -> memref<16x128xf32, #tpu.memory_space<vmem>>
    %dma_start3A_126 = arith.constant 16 : i32
    %dma_start3A_127 = tpu.memref_slice %arg3[%dma_start3A_126, %multiple_of3A_112] : memref<32x1000000xf32, #tpu.memory_space<hbm>> -> memref<16x128xf32, #tpu.memory_space<hbm>>
    %dma_start3A_128 = arith.constant 16 : i32
    %dma_start3A_129 = arith.constant 512 : i32
    %dma_start3A_130 = tpu.memref_slice %arg6[%dma_start3A_128, %dma_start3A_129] : memref<32x1024xf32, #tpu.memory_space<vmem>> -> memref<16x128xf32, #tpu.memory_space<vmem>>
    %dma_start3A_131 = arith.constant 16 : i32
    %dma_start3A_132 = tpu.memref_slice %arg3[%dma_start3A_131, %multiple_of3A_112] : memref<32x1000000xf32, #tpu.memory_space<hbm>> -> memref<16x128xf32, #tpu.memory_space<hbm>>
    tpu.enqueue_dma source(%dma_start3A_132 : memref<16x128xf32, #tpu.memory_space<hbm>>) target(%dma_start3A_130 : memref<16x128xf32, #tpu.memory_space<vmem>>) target_semaphore(%arg9 : memref<!tpu.dma_semaphore, #tpu.memory_space<semaphore_mem>>)
    %slice3A_133 = vector.extract_strided_slice %get3A_3 {offsets = [5], sizes = [1], strides = [1]} : vector<16xi32> to vector<1xi32>
    %squeeze3A_134 = vector.extract %slice3A_133[0] : i32 from vector<1xi32>
    %shift_right_arithmetic3A_135 = arith.constant 7 : i32
    %shift_right_arithmetic3A_136 = arith.shrsi %squeeze3A_134, %shift_right_arithmetic3A_135 : i32
    %shift_left3A_137 = arith.constant 7 : i32
    %shift_left3A_138 = arith.shli %shift_right_arithmetic3A_136, %shift_left3A_137 : i32
    %multiple_of3A_139 = tpu.assume_multiple %shift_left3A_138, 128 : i32
    %dma_start3A_140 = arith.constant 0 : i32
    %dma_start3A_141 = arith.constant 640 : i32
    %dma_start3A_142 = tpu.memref_slice %arg6[%dma_start3A_140, %dma_start3A_141] : memref<32x1024xf32, #tpu.memory_space<vmem>> -> memref<16x128xf32, #tpu.memory_space<vmem>>
    %dma_start3A_143 = arith.constant 0 : i32
    %dma_start3A_144 = tpu.memref_slice %arg3[%dma_start3A_143, %multiple_of3A_139] : memref<32x1000000xf32, #tpu.memory_space<hbm>> -> memref<16x128xf32, #tpu.memory_space<hbm>>
    %dma_start3A_145 = arith.constant 0 : i32
    %dma_start3A_146 = arith.constant 640 : i32
    %dma_start3A_147 = tpu.memref_slice %arg6[%dma_start3A_145, %dma_start3A_146] : memref<32x1024xf32, #tpu.memory_space<vmem>> -> memref<16x128xf32, #tpu.memory_space<vmem>>
    %dma_start3A_148 = arith.constant 0 : i32
    %dma_start3A_149 = tpu.memref_slice %arg3[%dma_start3A_148, %multiple_of3A_139] : memref<32x1000000xf32, #tpu.memory_space<hbm>> -> memref<16x128xf32, #tpu.memory_space<hbm>>
    tpu.enqueue_dma source(%dma_start3A_149 : memref<16x128xf32, #tpu.memory_space<hbm>>) target(%dma_start3A_147 : memref<16x128xf32, #tpu.memory_space<vmem>>) target_semaphore(%arg9 : memref<!tpu.dma_semaphore, #tpu.memory_space<semaphore_mem>>)
    %dma_start3A_150 = arith.constant 16 : i32
    %dma_start3A_151 = arith.constant 640 : i32
    %dma_start3A_152 = tpu.memref_slice %arg6[%dma_start3A_150, %dma_start3A_151] : memref<32x1024xf32, #tpu.memory_space<vmem>> -> memref<16x128xf32, #tpu.memory_space<vmem>>
    %dma_start3A_153 = arith.constant 16 : i32
    %dma_start3A_154 = tpu.memref_slice %arg3[%dma_start3A_153, %multiple_of3A_139] : memref<32x1000000xf32, #tpu.memory_space<hbm>> -> memref<16x128xf32, #tpu.memory_space<hbm>>
    %dma_start3A_155 = arith.constant 16 : i32
    %dma_start3A_156 = arith.constant 640 : i32
    %dma_start3A_157 = tpu.memref_slice %arg6[%dma_start3A_155, %dma_start3A_156] : memref<32x1024xf32, #tpu.memory_space<vmem>> -> memref<16x128xf32, #tpu.memory_space<vmem>>
    %dma_start3A_158 = arith.constant 16 : i32
    %dma_start3A_159 = tpu.memref_slice %arg3[%dma_start3A_158, %multiple_of3A_139] : memref<32x1000000xf32, #tpu.memory_space<hbm>> -> memref<16x128xf32, #tpu.memory_space<hbm>>
    tpu.enqueue_dma source(%dma_start3A_159 : memref<16x128xf32, #tpu.memory_space<hbm>>) target(%dma_start3A_157 : memref<16x128xf32, #tpu.memory_space<vmem>>) target_semaphore(%arg9 : memref<!tpu.dma_semaphore, #tpu.memory_space<semaphore_mem>>)
    %slice3A_160 = vector.extract_strided_slice %get3A_3 {offsets = [6], sizes = [1], strides = [1]} : vector<16xi32> to vector<1xi32>
    %squeeze3A_161 = vector.extract %slice3A_160[0] : i32 from vector<1xi32>
    %shift_right_arithmetic3A_162 = arith.constant 7 : i32
    %shift_right_arithmetic3A_163 = arith.shrsi %squeeze3A_161, %shift_right_arithmetic3A_162 : i32
    %shift_left3A_164 = arith.constant 7 : i32
    %shift_left3A_165 = arith.shli %shift_right_arithmetic3A_163, %shift_left3A_164 : i32
    %multiple_of3A_166 = tpu.assume_multiple %shift_left3A_165, 128 : i32
    %dma_start3A_167 = arith.constant 0 : i32
    %dma_start3A_168 = arith.constant 768 : i32
    %dma_start3A_169 = tpu.memref_slice %arg6[%dma_start3A_167, %dma_start3A_168] : memref<32x1024xf32, #tpu.memory_space<vmem>> -> memref<16x128xf32, #tpu.memory_space<vmem>>
    %dma_start3A_170 = arith.constant 0 : i32
    %dma_start3A_171 = tpu.memref_slice %arg3[%dma_start3A_170, %multiple_of3A_166] : memref<32x1000000xf32, #tpu.memory_space<hbm>> -> memref<16x128xf32, #tpu.memory_space<hbm>>
    %dma_start3A_172 = arith.constant 0 : i32
    %dma_start3A_173 = arith.constant 768 : i32
    %dma_start3A_174 = tpu.memref_slice %arg6[%dma_start3A_172, %dma_start3A_173] : memref<32x1024xf32, #tpu.memory_space<vmem>> -> memref<16x128xf32, #tpu.memory_space<vmem>>
    %dma_start3A_175 = arith.constant 0 : i32
    %dma_start3A_176 = tpu.memref_slice %arg3[%dma_start3A_175, %multiple_of3A_166] : memref<32x1000000xf32, #tpu.memory_space<hbm>> -> memref<16x128xf32, #tpu.memory_space<hbm>>
    tpu.enqueue_dma source(%dma_start3A_176 : memref<16x128xf32, #tpu.memory_space<hbm>>) target(%dma_start3A_174 : memref<16x128xf32, #tpu.memory_space<vmem>>) target_semaphore(%arg9 : memref<!tpu.dma_semaphore, #tpu.memory_space<semaphore_mem>>)
    %dma_start3A_177 = arith.constant 16 : i32
    %dma_start3A_178 = arith.constant 768 : i32
    %dma_start3A_179 = tpu.memref_slice %arg6[%dma_start3A_177, %dma_start3A_178] : memref<32x1024xf32, #tpu.memory_space<vmem>> -> memref<16x128xf32, #tpu.memory_space<vmem>>
    %dma_start3A_180 = arith.constant 16 : i32
    %dma_start3A_181 = tpu.memref_slice %arg3[%dma_start3A_180, %multiple_of3A_166] : memref<32x1000000xf32, #tpu.memory_space<hbm>> -> memref<16x128xf32, #tpu.memory_space<hbm>>
    %dma_start3A_182 = arith.constant 16 : i32
    %dma_start3A_183 = arith.constant 768 : i32
    %dma_start3A_184 = tpu.memref_slice %arg6[%dma_start3A_182, %dma_start3A_183] : memref<32x1024xf32, #tpu.memory_space<vmem>> -> memref<16x128xf32, #tpu.memory_space<vmem>>
    %dma_start3A_185 = arith.constant 16 : i32
    %dma_start3A_186 = tpu.memref_slice %arg3[%dma_start3A_185, %multiple_of3A_166] : memref<32x1000000xf32, #tpu.memory_space<hbm>> -> memref<16x128xf32, #tpu.memory_space<hbm>>
    tpu.enqueue_dma source(%dma_start3A_186 : memref<16x128xf32, #tpu.memory_space<hbm>>) target(%dma_start3A_184 : memref<16x128xf32, #tpu.memory_space<vmem>>) target_semaphore(%arg9 : memref<!tpu.dma_semaphore, #tpu.memory_space<semaphore_mem>>)
    %slice3A_187 = vector.extract_strided_slice %get3A_3 {offsets = [7], sizes = [1], strides = [1]} : vector<16xi32> to vector<1xi32>
    %squeeze3A_188 = vector.extract %slice3A_187[0] : i32 from vector<1xi32>
    %shift_right_arithmetic3A_189 = arith.constant 7 : i32
    %shift_right_arithmetic3A_190 = arith.shrsi %squeeze3A_188, %shift_right_arithmetic3A_189 : i32
    %shift_left3A_191 = arith.constant 7 : i32
    %shift_left3A_192 = arith.shli %shift_right_arithmetic3A_190, %shift_left3A_191 : i32
    %multiple_of3A_193 = tpu.assume_multiple %shift_left3A_192, 128 : i32
    %dma_start3A_194 = arith.constant 0 : i32
    %dma_start3A_195 = arith.constant 896 : i32
    %dma_start3A_196 = tpu.memref_slice %arg6[%dma_start3A_194, %dma_start3A_195] : memref<32x1024xf32, #tpu.memory_space<vmem>> -> memref<16x128xf32, #tpu.memory_space<vmem>>
    %dma_start3A_197 = arith.constant 0 : i32
    %dma_start3A_198 = tpu.memref_slice %arg3[%dma_start3A_197, %multiple_of3A_193] : memref<32x1000000xf32, #tpu.memory_space<hbm>> -> memref<16x128xf32, #tpu.memory_space<hbm>>
    %dma_start3A_199 = arith.constant 0 : i32
    %dma_start3A_200 = arith.constant 896 : i32
    %dma_start3A_201 = tpu.memref_slice %arg6[%dma_start3A_199, %dma_start3A_200] : memref<32x1024xf32, #tpu.memory_space<vmem>> -> memref<16x128xf32, #tpu.memory_space<vmem>>
    %dma_start3A_202 = arith.constant 0 : i32
    %dma_start3A_203 = tpu.memref_slice %arg3[%dma_start3A_202, %multiple_of3A_193] : memref<32x1000000xf32, #tpu.memory_space<hbm>> -> memref<16x128xf32, #tpu.memory_space<hbm>>
    tpu.enqueue_dma source(%dma_start3A_203 : memref<16x128xf32, #tpu.memory_space<hbm>>) target(%dma_start3A_201 : memref<16x128xf32, #tpu.memory_space<vmem>>) target_semaphore(%arg9 : memref<!tpu.dma_semaphore, #tpu.memory_space<semaphore_mem>>)
    %dma_start3A_204 = arith.constant 16 : i32
    %dma_start3A_205 = arith.constant 896 : i32
    %dma_start3A_206 = tpu.memref_slice %arg6[%dma_start3A_204, %dma_start3A_205] : memref<32x1024xf32, #tpu.memory_space<vmem>> -> memref<16x128xf32, #tpu.memory_space<vmem>>
    %dma_start3A_207 = arith.constant 16 : i32
    %dma_start3A_208 = tpu.memref_slice %arg3[%dma_start3A_207, %multiple_of3A_193] : memref<32x1000000xf32, #tpu.memory_space<hbm>> -> memref<16x128xf32, #tpu.memory_space<hbm>>
    %dma_start3A_209 = arith.constant 16 : i32
    %dma_start3A_210 = arith.constant 896 : i32
    %dma_start3A_211 = tpu.memref_slice %arg6[%dma_start3A_209, %dma_start3A_210] : memref<32x1024xf32, #tpu.memory_space<vmem>> -> memref<16x128xf32, #tpu.memory_space<vmem>>
    %dma_start3A_212 = arith.constant 16 : i32
    %dma_start3A_213 = tpu.memref_slice %arg3[%dma_start3A_212, %multiple_of3A_193] : memref<32x1000000xf32, #tpu.memory_space<hbm>> -> memref<16x128xf32, #tpu.memory_space<hbm>>
    tpu.enqueue_dma source(%dma_start3A_213 : memref<16x128xf32, #tpu.memory_space<hbm>>) target(%dma_start3A_211 : memref<16x128xf32, #tpu.memory_space<vmem>>) target_semaphore(%arg9 : memref<!tpu.dma_semaphore, #tpu.memory_space<semaphore_mem>>)
    %slice3A_214 = vector.extract_strided_slice %get3A_3 {offsets = [8], sizes = [1], strides = [1]} : vector<16xi32> to vector<1xi32>
    %squeeze3A_215 = vector.extract %slice3A_214[0] : i32 from vector<1xi32>
    %shift_right_arithmetic3A_216 = arith.constant 7 : i32
    %shift_right_arithmetic3A_217 = arith.shrsi %squeeze3A_215, %shift_right_arithmetic3A_216 : i32
    %shift_left3A_218 = arith.constant 7 : i32
    %shift_left3A_219 = arith.shli %shift_right_arithmetic3A_217, %shift_left3A_218 : i32
    %multiple_of3A_220 = tpu.assume_multiple %shift_left3A_219, 128 : i32
    %dma_start3A_221 = arith.constant 0 : i32
    %dma_start3A_222 = arith.constant 0 : i32
    %dma_start3A_223 = tpu.memref_slice %arg7[%dma_start3A_221, %dma_start3A_222] : memref<32x1024xf32, #tpu.memory_space<vmem>> -> memref<16x128xf32, #tpu.memory_space<vmem>>
    %dma_start3A_224 = arith.constant 0 : i32
    %dma_start3A_225 = tpu.memref_slice %arg3[%dma_start3A_224, %multiple_of3A_220] : memref<32x1000000xf32, #tpu.memory_space<hbm>> -> memref<16x128xf32, #tpu.memory_space<hbm>>
    %dma_start3A_226 = arith.constant 0 : i32
    %dma_start3A_227 = arith.constant 0 : i32
    %dma_start3A_228 = tpu.memref_slice %arg7[%dma_start3A_226, %dma_start3A_227] : memref<32x1024xf32, #tpu.memory_space<vmem>> -> memref<16x128xf32, #tpu.memory_space<vmem>>
    %dma_start3A_229 = arith.constant 0 : i32
    %dma_start3A_230 = tpu.memref_slice %arg3[%dma_start3A_229, %multiple_of3A_220] : memref<32x1000000xf32, #tpu.memory_space<hbm>> -> memref<16x128xf32, #tpu.memory_space<hbm>>
    tpu.enqueue_dma source(%dma_start3A_230 : memref<16x128xf32, #tpu.memory_space<hbm>>) target(%dma_start3A_228 : memref<16x128xf32, #tpu.memory_space<vmem>>) target_semaphore(%arg10 : memref<!tpu.dma_semaphore, #tpu.memory_space<semaphore_mem>>)
    %dma_start3A_231 = arith.constant 16 : i32
    %dma_start3A_232 = arith.constant 0 : i32
    %dma_start3A_233 = tpu.memref_slice %arg7[%dma_start3A_231, %dma_start3A_232] : memref<32x1024xf32, #tpu.memory_space<vmem>> -> memref<16x128xf32, #tpu.memory_space<vmem>>
    %dma_start3A_234 = arith.constant 16 : i32
    %dma_start3A_235 = tpu.memref_slice %arg3[%dma_start3A_234, %multiple_of3A_220] : memref<32x1000000xf32, #tpu.memory_space<hbm>> -> memref<16x128xf32, #tpu.memory_space<hbm>>
    %dma_start3A_236 = arith.constant 16 : i32
    %dma_start3A_237 = arith.constant 0 : i32
    %dma_start3A_238 = tpu.memref_slice %arg7[%dma_start3A_236, %dma_start3A_237] : memref<32x1024xf32, #tpu.memory_space<vmem>> -> memref<16x128xf32, #tpu.memory_space<vmem>>
    %dma_start3A_239 = arith.constant 16 : i32
    %dma_start3A_240 = tpu.memref_slice %arg3[%dma_start3A_239, %multiple_of3A_220] : memref<32x1000000xf32, #tpu.memory_space<hbm>> -> memref<16x128xf32, #tpu.memory_space<hbm>>
    tpu.enqueue_dma source(%dma_start3A_240 : memref<16x128xf32, #tpu.memory_space<hbm>>) target(%dma_start3A_238 : memref<16x128xf32, #tpu.memory_space<vmem>>) target_semaphore(%arg10 : memref<!tpu.dma_semaphore, #tpu.memory_space<semaphore_mem>>)
    %slice3A_241 = vector.extract_strided_slice %get3A_3 {offsets = [9], sizes = [1], strides = [1]} : vector<16xi32> to vector<1xi32>
    %squeeze3A_242 = vector.extract %slice3A_241[0] : i32 from vector<1xi32>
    %shift_right_arithmetic3A_243 = arith.constant 7 : i32
    %shift_right_arithmetic3A_244 = arith.shrsi %squeeze3A_242, %shift_right_arithmetic3A_243 : i32
    %shift_left3A_245 = arith.constant 7 : i32
    %shift_left3A_246 = arith.shli %shift_right_arithmetic3A_244, %shift_left3A_245 : i32
    %multiple_of3A_247 = tpu.assume_multiple %shift_left3A_246, 128 : i32
    %dma_start3A_248 = arith.constant 0 : i32
    %dma_start3A_249 = arith.constant 128 : i32
    %dma_start3A_250 = tpu.memref_slice %arg7[%dma_start3A_248, %dma_start3A_249] : memref<32x1024xf32, #tpu.memory_space<vmem>> -> memref<16x128xf32, #tpu.memory_space<vmem>>
    %dma_start3A_251 = arith.constant 0 : i32
    %dma_start3A_252 = tpu.memref_slice %arg3[%dma_start3A_251, %multiple_of3A_247] : memref<32x1000000xf32, #tpu.memory_space<hbm>> -> memref<16x128xf32, #tpu.memory_space<hbm>>
    %dma_start3A_253 = arith.constant 0 : i32
    %dma_start3A_254 = arith.constant 128 : i32
    %dma_start3A_255 = tpu.memref_slice %arg7[%dma_start3A_253, %dma_start3A_254] : memref<32x1024xf32, #tpu.memory_space<vmem>> -> memref<16x128xf32, #tpu.memory_space<vmem>>
    %dma_start3A_256 = arith.constant 0 : i32
    %dma_start3A_257 = tpu.memref_slice %arg3[%dma_start3A_256, %multiple_of3A_247] : memref<32x1000000xf32, #tpu.memory_space<hbm>> -> memref<16x128xf32, #tpu.memory_space<hbm>>
    tpu.enqueue_dma source(%dma_start3A_257 : memref<16x128xf32, #tpu.memory_space<hbm>>) target(%dma_start3A_255 : memref<16x128xf32, #tpu.memory_space<vmem>>) target_semaphore(%arg10 : memref<!tpu.dma_semaphore, #tpu.memory_space<semaphore_mem>>)
    %dma_start3A_258 = arith.constant 16 : i32
    %dma_start3A_259 = arith.constant 128 : i32
    %dma_start3A_260 = tpu.memref_slice %arg7[%dma_start3A_258, %dma_start3A_259] : memref<32x1024xf32, #tpu.memory_space<vmem>> -> memref<16x128xf32, #tpu.memory_space<vmem>>
    %dma_start3A_261 = arith.constant 16 : i32
    %dma_start3A_262 = tpu.memref_slice %arg3[%dma_start3A_261, %multiple_of3A_247] : memref<32x1000000xf32, #tpu.memory_space<hbm>> -> memref<16x128xf32, #tpu.memory_space<hbm>>
    %dma_start3A_263 = arith.constant 16 : i32
    %dma_start3A_264 = arith.constant 128 : i32
    %dma_start3A_265 = tpu.memref_slice %arg7[%dma_start3A_263, %dma_start3A_264] : memref<32x1024xf32, #tpu.memory_space<vmem>> -> memref<16x128xf32, #tpu.memory_space<vmem>>
    %dma_start3A_266 = arith.constant 16 : i32
    %dma_start3A_267 = tpu.memref_slice %arg3[%dma_start3A_266, %multiple_of3A_247] : memref<32x1000000xf32, #tpu.memory_space<hbm>> -> memref<16x128xf32, #tpu.memory_space<hbm>>
    tpu.enqueue_dma source(%dma_start3A_267 : memref<16x128xf32, #tpu.memory_space<hbm>>) target(%dma_start3A_265 : memref<16x128xf32, #tpu.memory_space<vmem>>) target_semaphore(%arg10 : memref<!tpu.dma_semaphore, #tpu.memory_space<semaphore_mem>>)
    %slice3A_268 = vector.extract_strided_slice %get3A_3 {offsets = [10], sizes = [1], strides = [1]} : vector<16xi32> to vector<1xi32>
    %squeeze3A_269 = vector.extract %slice3A_268[0] : i32 from vector<1xi32>
    %shift_right_arithmetic3A_270 = arith.constant 7 : i32
    %shift_right_arithmetic3A_271 = arith.shrsi %squeeze3A_269, %shift_right_arithmetic3A_270 : i32
    %shift_left3A_272 = arith.constant 7 : i32
    %shift_left3A_273 = arith.shli %shift_right_arithmetic3A_271, %shift_left3A_272 : i32
    %multiple_of3A_274 = tpu.assume_multiple %shift_left3A_273, 128 : i32
    %dma_start3A_275 = arith.constant 0 : i32
    %dma_start3A_276 = arith.constant 256 : i32
    %dma_start3A_277 = tpu.memref_slice %arg7[%dma_start3A_275, %dma_start3A_276] : memref<32x1024xf32, #tpu.memory_space<vmem>> -> memref<16x128xf32, #tpu.memory_space<vmem>>
    %dma_start3A_278 = arith.constant 0 : i32
    %dma_start3A_279 = tpu.memref_slice %arg3[%dma_start3A_278, %multiple_of3A_274] : memref<32x1000000xf32, #tpu.memory_space<hbm>> -> memref<16x128xf32, #tpu.memory_space<hbm>>
    %dma_start3A_280 = arith.constant 0 : i32
    %dma_start3A_281 = arith.constant 256 : i32
    %dma_start3A_282 = tpu.memref_slice %arg7[%dma_start3A_280, %dma_start3A_281] : memref<32x1024xf32, #tpu.memory_space<vmem>> -> memref<16x128xf32, #tpu.memory_space<vmem>>
    %dma_start3A_283 = arith.constant 0 : i32
    %dma_start3A_284 = tpu.memref_slice %arg3[%dma_start3A_283, %multiple_of3A_274] : memref<32x1000000xf32, #tpu.memory_space<hbm>> -> memref<16x128xf32, #tpu.memory_space<hbm>>
    tpu.enqueue_dma source(%dma_start3A_284 : memref<16x128xf32, #tpu.memory_space<hbm>>) target(%dma_start3A_282 : memref<16x128xf32, #tpu.memory_space<vmem>>) target_semaphore(%arg10 : memref<!tpu.dma_semaphore, #tpu.memory_space<semaphore_mem>>)
    %dma_start3A_285 = arith.constant 16 : i32
    %dma_start3A_286 = arith.constant 256 : i32
    %dma_start3A_287 = tpu.memref_slice %arg7[%dma_start3A_285, %dma_start3A_286] : memref<32x1024xf32, #tpu.memory_space<vmem>> -> memref<16x128xf32, #tpu.memory_space<vmem>>
    %dma_start3A_288 = arith.constant 16 : i32
    %dma_start3A_289 = tpu.memref_slice %arg3[%dma_start3A_288, %multiple_of3A_274] : memref<32x1000000xf32, #tpu.memory_space<hbm>> -> memref<16x128xf32, #tpu.memory_space<hbm>>
    %dma_start3A_290 = arith.constant 16 : i32
    %dma_start3A_291 = arith.constant 256 : i32
    %dma_start3A_292 = tpu.memref_slice %arg7[%dma_start3A_290, %dma_start3A_291] : memref<32x1024xf32, #tpu.memory_space<vmem>> -> memref<16x128xf32, #tpu.memory_space<vmem>>
    %dma_start3A_293 = arith.constant 16 : i32
    %dma_start3A_294 = tpu.memref_slice %arg3[%dma_start3A_293, %multiple_of3A_274] : memref<32x1000000xf32, #tpu.memory_space<hbm>> -> memref<16x128xf32, #tpu.memory_space<hbm>>
    tpu.enqueue_dma source(%dma_start3A_294 : memref<16x128xf32, #tpu.memory_space<hbm>>) target(%dma_start3A_292 : memref<16x128xf32, #tpu.memory_space<vmem>>) target_semaphore(%arg10 : memref<!tpu.dma_semaphore, #tpu.memory_space<semaphore_mem>>)
    %slice3A_295 = vector.extract_strided_slice %get3A_3 {offsets = [11], sizes = [1], strides = [1]} : vector<16xi32> to vector<1xi32>
    %squeeze3A_296 = vector.extract %slice3A_295[0] : i32 from vector<1xi32>
    %shift_right_arithmetic3A_297 = arith.constant 7 : i32
    %shift_right_arithmetic3A_298 = arith.shrsi %squeeze3A_296, %shift_right_arithmetic3A_297 : i32
    %shift_left3A_299 = arith.constant 7 : i32
    %shift_left3A_300 = arith.shli %shift_right_arithmetic3A_298, %shift_left3A_299 : i32
    %multiple_of3A_301 = tpu.assume_multiple %shift_left3A_300, 128 : i32
    %dma_start3A_302 = arith.constant 0 : i32
    %dma_start3A_303 = arith.constant 384 : i32
    %dma_start3A_304 = tpu.memref_slice %arg7[%dma_start3A_302, %dma_start3A_303] : memref<32x1024xf32, #tpu.memory_space<vmem>> -> memref<16x128xf32, #tpu.memory_space<vmem>>
    %dma_start3A_305 = arith.constant 0 : i32
    %dma_start3A_306 = tpu.memref_slice %arg3[%dma_start3A_305, %multiple_of3A_301] : memref<32x1000000xf32, #tpu.memory_space<hbm>> -> memref<16x128xf32, #tpu.memory_space<hbm>>
    %dma_start3A_307 = arith.constant 0 : i32
    %dma_start3A_308 = arith.constant 384 : i32
    %dma_start3A_309 = tpu.memref_slice %arg7[%dma_start3A_307, %dma_start3A_308] : memref<32x1024xf32, #tpu.memory_space<vmem>> -> memref<16x128xf32, #tpu.memory_space<vmem>>
    %dma_start3A_310 = arith.constant 0 : i32
    %dma_start3A_311 = tpu.memref_slice %arg3[%dma_start3A_310, %multiple_of3A_301] : memref<32x1000000xf32, #tpu.memory_space<hbm>> -> memref<16x128xf32, #tpu.memory_space<hbm>>
    tpu.enqueue_dma source(%dma_start3A_311 : memref<16x128xf32, #tpu.memory_space<hbm>>) target(%dma_start3A_309 : memref<16x128xf32, #tpu.memory_space<vmem>>) target_semaphore(%arg10 : memref<!tpu.dma_semaphore, #tpu.memory_space<semaphore_mem>>)
    %dma_start3A_312 = arith.constant 16 : i32
    %dma_start3A_313 = arith.constant 384 : i32
    %dma_start3A_314 = tpu.memref_slice %arg7[%dma_start3A_312, %dma_start3A_313] : memref<32x1024xf32, #tpu.memory_space<vmem>> -> memref<16x128xf32, #tpu.memory_space<vmem>>
    %dma_start3A_315 = arith.constant 16 : i32
    %dma_start3A_316 = tpu.memref_slice %arg3[%dma_start3A_315, %multiple_of3A_301] : memref<32x1000000xf32, #tpu.memory_space<hbm>> -> memref<16x128xf32, #tpu.memory_space<hbm>>
    %dma_start3A_317 = arith.constant 16 : i32
    %dma_start3A_318 = arith.constant 384 : i32
    %dma_start3A_319 = tpu.memref_slice %arg7[%dma_start3A_317, %dma_start3A_318] : memref<32x1024xf32, #tpu.memory_space<vmem>> -> memref<16x128xf32, #tpu.memory_space<vmem>>
    %dma_start3A_320 = arith.constant 16 : i32
    %dma_start3A_321 = tpu.memref_slice %arg3[%dma_start3A_320, %multiple_of3A_301] : memref<32x1000000xf32, #tpu.memory_space<hbm>> -> memref<16x128xf32, #tpu.memory_space<hbm>>
    tpu.enqueue_dma source(%dma_start3A_321 : memref<16x128xf32, #tpu.memory_space<hbm>>) target(%dma_start3A_319 : memref<16x128xf32, #tpu.memory_space<vmem>>) target_semaphore(%arg10 : memref<!tpu.dma_semaphore, #tpu.memory_space<semaphore_mem>>)
    %slice3A_322 = vector.extract_strided_slice %get3A_3 {offsets = [12], sizes = [1], strides = [1]} : vector<16xi32> to vector<1xi32>
    %squeeze3A_323 = vector.extract %slice3A_322[0] : i32 from vector<1xi32>
    %shift_right_arithmetic3A_324 = arith.constant 7 : i32
    %shift_right_arithmetic3A_325 = arith.shrsi %squeeze3A_323, %shift_right_arithmetic3A_324 : i32
    %shift_left3A_326 = arith.constant 7 : i32
    %shift_left3A_327 = arith.shli %shift_right_arithmetic3A_325, %shift_left3A_326 : i32
    %multiple_of3A_328 = tpu.assume_multiple %shift_left3A_327, 128 : i32
    %dma_start3A_329 = arith.constant 0 : i32
    %dma_start3A_330 = arith.constant 512 : i32
    %dma_start3A_331 = tpu.memref_slice %arg7[%dma_start3A_329, %dma_start3A_330] : memref<32x1024xf32, #tpu.memory_space<vmem>> -> memref<16x128xf32, #tpu.memory_space<vmem>>
    %dma_start3A_332 = arith.constant 0 : i32
    %dma_start3A_333 = tpu.memref_slice %arg3[%dma_start3A_332, %multiple_of3A_328] : memref<32x1000000xf32, #tpu.memory_space<hbm>> -> memref<16x128xf32, #tpu.memory_space<hbm>>
    %dma_start3A_334 = arith.constant 0 : i32
    %dma_start3A_335 = arith.constant 512 : i32
    %dma_start3A_336 = tpu.memref_slice %arg7[%dma_start3A_334, %dma_start3A_335] : memref<32x1024xf32, #tpu.memory_space<vmem>> -> memref<16x128xf32, #tpu.memory_space<vmem>>
    %dma_start3A_337 = arith.constant 0 : i32
    %dma_start3A_338 = tpu.memref_slice %arg3[%dma_start3A_337, %multiple_of3A_328] : memref<32x1000000xf32, #tpu.memory_space<hbm>> -> memref<16x128xf32, #tpu.memory_space<hbm>>
    tpu.enqueue_dma source(%dma_start3A_338 : memref<16x128xf32, #tpu.memory_space<hbm>>) target(%dma_start3A_336 : memref<16x128xf32, #tpu.memory_space<vmem>>) target_semaphore(%arg10 : memref<!tpu.dma_semaphore, #tpu.memory_space<semaphore_mem>>)
    %dma_start3A_339 = arith.constant 16 : i32
    %dma_start3A_340 = arith.constant 512 : i32
    %dma_start3A_341 = tpu.memref_slice %arg7[%dma_start3A_339, %dma_start3A_340] : memref<32x1024xf32, #tpu.memory_space<vmem>> -> memref<16x128xf32, #tpu.memory_space<vmem>>
    %dma_start3A_342 = arith.constant 16 : i32
    %dma_start3A_343 = tpu.memref_slice %arg3[%dma_start3A_342, %multiple_of3A_328] : memref<32x1000000xf32, #tpu.memory_space<hbm>> -> memref<16x128xf32, #tpu.memory_space<hbm>>
    %dma_start3A_344 = arith.constant 16 : i32
    %dma_start3A_345 = arith.constant 512 : i32
    %dma_start3A_346 = tpu.memref_slice %arg7[%dma_start3A_344, %dma_start3A_345] : memref<32x1024xf32, #tpu.memory_space<vmem>> -> memref<16x128xf32, #tpu.memory_space<vmem>>
    %dma_start3A_347 = arith.constant 16 : i32
    %dma_start3A_348 = tpu.memref_slice %arg3[%dma_start3A_347, %multiple_of3A_328] : memref<32x1000000xf32, #tpu.memory_space<hbm>> -> memref<16x128xf32, #tpu.memory_space<hbm>>
    tpu.enqueue_dma source(%dma_start3A_348 : memref<16x128xf32, #tpu.memory_space<hbm>>) target(%dma_start3A_346 : memref<16x128xf32, #tpu.memory_space<vmem>>) target_semaphore(%arg10 : memref<!tpu.dma_semaphore, #tpu.memory_space<semaphore_mem>>)
    %slice3A_349 = vector.extract_strided_slice %get3A_3 {offsets = [13], sizes = [1], strides = [1]} : vector<16xi32> to vector<1xi32>
    %squeeze3A_350 = vector.extract %slice3A_349[0] : i32 from vector<1xi32>
    %shift_right_arithmetic3A_351 = arith.constant 7 : i32
    %shift_right_arithmetic3A_352 = arith.shrsi %squeeze3A_350, %shift_right_arithmetic3A_351 : i32
    %shift_left3A_353 = arith.constant 7 : i32
    %shift_left3A_354 = arith.shli %shift_right_arithmetic3A_352, %shift_left3A_353 : i32
    %multiple_of3A_355 = tpu.assume_multiple %shift_left3A_354, 128 : i32
    %dma_start3A_356 = arith.constant 0 : i32
    %dma_start3A_357 = arith.constant 640 : i32
    %dma_start3A_358 = tpu.memref_slice %arg7[%dma_start3A_356, %dma_start3A_357] : memref<32x1024xf32, #tpu.memory_space<vmem>> -> memref<16x128xf32, #tpu.memory_space<vmem>>
    %dma_start3A_359 = arith.constant 0 : i32
    %dma_start3A_360 = tpu.memref_slice %arg3[%dma_start3A_359, %multiple_of3A_355] : memref<32x1000000xf32, #tpu.memory_space<hbm>> -> memref<16x128xf32, #tpu.memory_space<hbm>>
    %dma_start3A_361 = arith.constant 0 : i32
    %dma_start3A_362 = arith.constant 640 : i32
    %dma_start3A_363 = tpu.memref_slice %arg7[%dma_start3A_361, %dma_start3A_362] : memref<32x1024xf32, #tpu.memory_space<vmem>> -> memref<16x128xf32, #tpu.memory_space<vmem>>
    %dma_start3A_364 = arith.constant 0 : i32
    %dma_start3A_365 = tpu.memref_slice %arg3[%dma_start3A_364, %multiple_of3A_355] : memref<32x1000000xf32, #tpu.memory_space<hbm>> -> memref<16x128xf32, #tpu.memory_space<hbm>>
    tpu.enqueue_dma source(%dma_start3A_365 : memref<16x128xf32, #tpu.memory_space<hbm>>) target(%dma_start3A_363 : memref<16x128xf32, #tpu.memory_space<vmem>>) target_semaphore(%arg10 : memref<!tpu.dma_semaphore, #tpu.memory_space<semaphore_mem>>)
    %dma_start3A_366 = arith.constant 16 : i32
    %dma_start3A_367 = arith.constant 640 : i32
    %dma_start3A_368 = tpu.memref_slice %arg7[%dma_start3A_366, %dma_start3A_367] : memref<32x1024xf32, #tpu.memory_space<vmem>> -> memref<16x128xf32, #tpu.memory_space<vmem>>
    %dma_start3A_369 = arith.constant 16 : i32
    %dma_start3A_370 = tpu.memref_slice %arg3[%dma_start3A_369, %multiple_of3A_355] : memref<32x1000000xf32, #tpu.memory_space<hbm>> -> memref<16x128xf32, #tpu.memory_space<hbm>>
    %dma_start3A_371 = arith.constant 16 : i32
    %dma_start3A_372 = arith.constant 640 : i32
    %dma_start3A_373 = tpu.memref_slice %arg7[%dma_start3A_371, %dma_start3A_372] : memref<32x1024xf32, #tpu.memory_space<vmem>> -> memref<16x128xf32, #tpu.memory_space<vmem>>
    %dma_start3A_374 = arith.constant 16 : i32
    %dma_start3A_375 = tpu.memref_slice %arg3[%dma_start3A_374, %multiple_of3A_355] : memref<32x1000000xf32, #tpu.memory_space<hbm>> -> memref<16x128xf32, #tpu.memory_space<hbm>>
    tpu.enqueue_dma source(%dma_start3A_375 : memref<16x128xf32, #tpu.memory_space<hbm>>) target(%dma_start3A_373 : memref<16x128xf32, #tpu.memory_space<vmem>>) target_semaphore(%arg10 : memref<!tpu.dma_semaphore, #tpu.memory_space<semaphore_mem>>)
    %slice3A_376 = vector.extract_strided_slice %get3A_3 {offsets = [14], sizes = [1], strides = [1]} : vector<16xi32> to vector<1xi32>
    %squeeze3A_377 = vector.extract %slice3A_376[0] : i32 from vector<1xi32>
    %shift_right_arithmetic3A_378 = arith.constant 7 : i32
    %shift_right_arithmetic3A_379 = arith.shrsi %squeeze3A_377, %shift_right_arithmetic3A_378 : i32
    %shift_left3A_380 = arith.constant 7 : i32
    %shift_left3A_381 = arith.shli %shift_right_arithmetic3A_379, %shift_left3A_380 : i32
    %multiple_of3A_382 = tpu.assume_multiple %shift_left3A_381, 128 : i32
    %dma_start3A_383 = arith.constant 0 : i32
    %dma_start3A_384 = arith.constant 768 : i32
    %dma_start3A_385 = tpu.memref_slice %arg7[%dma_start3A_383, %dma_start3A_384] : memref<32x1024xf32, #tpu.memory_space<vmem>> -> memref<16x128xf32, #tpu.memory_space<vmem>>
    %dma_start3A_386 = arith.constant 0 : i32
    %dma_start3A_387 = tpu.memref_slice %arg3[%dma_start3A_386, %multiple_of3A_382] : memref<32x1000000xf32, #tpu.memory_space<hbm>> -> memref<16x128xf32, #tpu.memory_space<hbm>>
    %dma_start3A_388 = arith.constant 0 : i32
    %dma_start3A_389 = arith.constant 768 : i32
    %dma_start3A_390 = tpu.memref_slice %arg7[%dma_start3A_388, %dma_start3A_389] : memref<32x1024xf32, #tpu.memory_space<vmem>> -> memref<16x128xf32, #tpu.memory_space<vmem>>
    %dma_start3A_391 = arith.constant 0 : i32
    %dma_start3A_392 = tpu.memref_slice %arg3[%dma_start3A_391, %multiple_of3A_382] : memref<32x1000000xf32, #tpu.memory_space<hbm>> -> memref<16x128xf32, #tpu.memory_space<hbm>>
    tpu.enqueue_dma source(%dma_start3A_392 : memref<16x128xf32, #tpu.memory_space<hbm>>) target(%dma_start3A_390 : memref<16x128xf32, #tpu.memory_space<vmem>>) target_semaphore(%arg10 : memref<!tpu.dma_semaphore, #tpu.memory_space<semaphore_mem>>)
    %dma_start3A_393 = arith.constant 16 : i32
    %dma_start3A_394 = arith.constant 768 : i32
    %dma_start3A_395 = tpu.memref_slice %arg7[%dma_start3A_393, %dma_start3A_394] : memref<32x1024xf32, #tpu.memory_space<vmem>> -> memref<16x128xf32, #tpu.memory_space<vmem>>
    %dma_start3A_396 = arith.constant 16 : i32
    %dma_start3A_397 = tpu.memref_slice %arg3[%dma_start3A_396, %multiple_of3A_382] : memref<32x1000000xf32, #tpu.memory_space<hbm>> -> memref<16x128xf32, #tpu.memory_space<hbm>>
    %dma_start3A_398 = arith.constant 16 : i32
    %dma_start3A_399 = arith.constant 768 : i32
    %dma_start3A_400 = tpu.memref_slice %arg7[%dma_start3A_398, %dma_start3A_399] : memref<32x1024xf32, #tpu.memory_space<vmem>> -> memref<16x128xf32, #tpu.memory_space<vmem>>
    %dma_start3A_401 = arith.constant 16 : i32
    %dma_start3A_402 = tpu.memref_slice %arg3[%dma_start3A_401, %multiple_of3A_382] : memref<32x1000000xf32, #tpu.memory_space<hbm>> -> memref<16x128xf32, #tpu.memory_space<hbm>>
    tpu.enqueue_dma source(%dma_start3A_402 : memref<16x128xf32, #tpu.memory_space<hbm>>) target(%dma_start3A_400 : memref<16x128xf32, #tpu.memory_space<vmem>>) target_semaphore(%arg10 : memref<!tpu.dma_semaphore, #tpu.memory_space<semaphore_mem>>)
    %slice3A_403 = vector.extract_strided_slice %get3A_3 {offsets = [15], sizes = [1], strides = [1]} : vector<16xi32> to vector<1xi32>
    %squeeze3A_404 = vector.extract %slice3A_403[0] : i32 from vector<1xi32>
    %shift_right_arithmetic3A_405 = arith.constant 7 : i32
    %shift_right_arithmetic3A_406 = arith.shrsi %squeeze3A_404, %shift_right_arithmetic3A_405 : i32
    %shift_left3A_407 = arith.constant 7 : i32
    %shift_left3A_408 = arith.shli %shift_right_arithmetic3A_406, %shift_left3A_407 : i32
    %multiple_of3A_409 = tpu.assume_multiple %shift_left3A_408, 128 : i32
    %dma_start3A_410 = arith.constant 0 : i32
    %dma_start3A_411 = arith.constant 896 : i32
    %dma_start3A_412 = tpu.memref_slice %arg7[%dma_start3A_410, %dma_start3A_411] : memref<32x1024xf32, #tpu.memory_space<vmem>> -> memref<16x128xf32, #tpu.memory_space<vmem>>
    %dma_start3A_413 = arith.constant 0 : i32
    %dma_start3A_414 = tpu.memref_slice %arg3[%dma_start3A_413, %multiple_of3A_409] : memref<32x1000000xf32, #tpu.memory_space<hbm>> -> memref<16x128xf32, #tpu.memory_space<hbm>>
    %dma_start3A_415 = arith.constant 0 : i32
    %dma_start3A_416 = arith.constant 896 : i32
    %dma_start3A_417 = tpu.memref_slice %arg7[%dma_start3A_415, %dma_start3A_416] : memref<32x1024xf32, #tpu.memory_space<vmem>> -> memref<16x128xf32, #tpu.memory_space<vmem>>
    %dma_start3A_418 = arith.constant 0 : i32
    %dma_start3A_419 = tpu.memref_slice %arg3[%dma_start3A_418, %multiple_of3A_409] : memref<32x1000000xf32, #tpu.memory_space<hbm>> -> memref<16x128xf32, #tpu.memory_space<hbm>>
    tpu.enqueue_dma source(%dma_start3A_419 : memref<16x128xf32, #tpu.memory_space<hbm>>) target(%dma_start3A_417 : memref<16x128xf32, #tpu.memory_space<vmem>>) target_semaphore(%arg10 : memref<!tpu.dma_semaphore, #tpu.memory_space<semaphore_mem>>)
    %dma_start3A_420 = arith.constant 16 : i32
    %dma_start3A_421 = arith.constant 896 : i32
    %dma_start3A_422 = tpu.memref_slice %arg7[%dma_start3A_420, %dma_start3A_421] : memref<32x1024xf32, #tpu.memory_space<vmem>> -> memref<16x128xf32, #tpu.memory_space<vmem>>
    %dma_start3A_423 = arith.constant 16 : i32
    %dma_start3A_424 = tpu.memref_slice %arg3[%dma_start3A_423, %multiple_of3A_409] : memref<32x1000000xf32, #tpu.memory_space<hbm>> -> memref<16x128xf32, #tpu.memory_space<hbm>>
    %dma_start3A_425 = arith.constant 16 : i32
    %dma_start3A_426 = arith.constant 896 : i32
    %dma_start3A_427 = tpu.memref_slice %arg7[%dma_start3A_425, %dma_start3A_426] : memref<32x1024xf32, #tpu.memory_space<vmem>> -> memref<16x128xf32, #tpu.memory_space<vmem>>
    %dma_start3A_428 = arith.constant 16 : i32
    %dma_start3A_429 = tpu.memref_slice %arg3[%dma_start3A_428, %multiple_of3A_409] : memref<32x1000000xf32, #tpu.memory_space<hbm>> -> memref<16x128xf32, #tpu.memory_space<hbm>>
    tpu.enqueue_dma source(%dma_start3A_429 : memref<16x128xf32, #tpu.memory_space<hbm>>) target(%dma_start3A_427 : memref<16x128xf32, #tpu.memory_space<vmem>>) target_semaphore(%arg10 : memref<!tpu.dma_semaphore, #tpu.memory_space<semaphore_mem>>)
    %scan3A = arith.constant 0 : i32
    %scan3A_430 = arith.constant 0 : i32
    %scan3A_431 = arith.constant 32 : i32
    %scan3A_432 = arith.addi %scan3A_430, %scan3A_431 : i32
    %scan3A_433 = arith.constant 1 : i32
    scf.for %scan3A_435 = %scan3A_430 to %scan3A_432 step %scan3A_433  : i32 {
      %mul3A_436 = arith.constant 2 : i32
      %mul3A_437 = arith.muli %scan3A_435, %mul3A_436 : i32
      %mul3A_438 = arith.constant 8 : i32
      %mul3A_439 = arith.muli %mul3A_437, %mul3A_438 : i32
      %get3A_440 = arith.index_cast %mul3A_439 : i32 to index
      %get3A_441 = tpu.vector_load %arg5[%get3A_440] {strides = array<i32>} : memref<512xi32, #tpu.memory_space<vmem>>, vector<16xi32>,
      %add3A_442 = arith.constant 1 : i32
      %add3A_443 = arith.addi %scan3A_435, %add3A_442 : i32
      %min3A = arith.constant 31 : i32
      %min3A_444 = arith.minsi %add3A_443, %min3A : i32
      %mul3A_445 = arith.constant 2 : i32
      %mul3A_446 = arith.muli %min3A_444, %mul3A_445 : i32
      %mul3A_447 = arith.constant 8 : i32
      %mul3A_448 = arith.muli %mul3A_446, %mul3A_447 : i32
      %get3A_449 = arith.index_cast %mul3A_448 : i32 to index
      %get3A_450 = tpu.vector_load %arg5[%get3A_449] {strides = array<i32>} : memref<512xi32, #tpu.memory_space<vmem>>, vector<16xi32>,
      %mul3A_451 = arith.constant 2 : i32
      %mul3A_452 = arith.muli %scan3A_435, %mul3A_451 : i32
      %add3A_453 = arith.constant 0 : i32
      %add3A_454 = arith.addi %mul3A_452, %add3A_453 : i32
      %dma_wait3A = arith.constant 0 : i32
      %dma_wait3A_455 = arith.constant 0 : i32
      %dma_wait3A_456 = tpu.memref_slice %arg3[%dma_wait3A, %dma_wait3A_455] : memref<32x1000000xf32, #tpu.memory_space<hbm>> -> memref<32x1024xf32, #tpu.memory_space<hbm>>
      %dma_wait3A_457 = arith.constant 0 : i32
      %dma_wait3A_458 = arith.constant 0 : i32
      %dma_wait3A_459 = tpu.memref_slice %arg3[%dma_wait3A_457, %dma_wait3A_458] : memref<32x1000000xf32, #tpu.memory_space<hbm>> -> memref<32x1024xf32, #tpu.memory_space<hbm>>
      tpu.wait_dma2 semaphore(%arg9 : memref<!tpu.dma_semaphore, #tpu.memory_space<semaphore_mem>>) src(%dma_wait3A_459 : memref<32x1024xf32, #tpu.memory_space<hbm>>) dst(%arg6 : memref<32x1024xf32, #tpu.memory_space<vmem>>)
      %slice3A_460 = vector.extract_strided_slice %get3A_441 {offsets = [0], sizes = [1], strides = [1]} : vector<16xi32> to vector<1xi32>
      %squeeze3A_461 = vector.extract %slice3A_460[0] : i32 from vector<1xi32>
      %and3A = arith.constant 127 : i32
      %and3A_462 = arith.andi %squeeze3A_461, %and3A : i32
      %add3A_463 = arith.constant 0 : i32
      %add3A_464 = arith.addi %and3A_462, %add3A_463 : i32
      %broadcast_in_dim3A = vector.broadcast %add3A_464 : i32 to vector<16xi32>
      %mul3A_465 = arith.constant 8 : i32
      %mul3A_466 = arith.muli %add3A_454, %mul3A_465 : i32
      %add3A_467 = arith.constant 0 : i32
      %add3A_468 = arith.addi %mul3A_466, %add3A_467 : i32
      %broadcast_in_dim3A_469 = vector.broadcast %add3A_468 : i32 to vector<16xi32>
      %add3A_470 = arith.constant 0 : i32
      %add3A_471 = vector.broadcast %add3A_470 : i32 to vector<16xi32>
      %add3A_472 = arith.addi %iota3A, %add3A_471 : vector<16xi32>
      %gather3A = tpu.vector_load_idx %arg6[%add3A_472, %broadcast_in_dim3A] : memref<32x1024xf32, #tpu.memory_space<vmem>>[vector<16xi32>, vector<16xi32>], vector<16xf32>,
      tpu.vector_store_idx %arg8[%add3A_472, %broadcast_in_dim3A_469], %gather3A : memref<32x512xf32, #tpu.memory_space<vmem>>[vector<16xi32>, vector<16xi32>], vector<16xf32>,
      %add3A_473 = arith.constant 16 : i32
      %add3A_474 = vector.broadcast %add3A_473 : i32 to vector<16xi32>
      %add3A_475 = arith.addi %iota3A, %add3A_474 : vector<16xi32>
      %gather3A_476 = tpu.vector_load_idx %arg6[%add3A_475, %broadcast_in_dim3A] : memref<32x1024xf32, #tpu.memory_space<vmem>>[vector<16xi32>, vector<16xi32>], vector<16xf32>,
      tpu.vector_store_idx %arg8[%add3A_475, %broadcast_in_dim3A_469], %gather3A_476 : memref<32x512xf32, #tpu.memory_space<vmem>>[vector<16xi32>, vector<16xi32>], vector<16xf32>,
      %slice3A_477 = vector.extract_strided_slice %get3A_441 {offsets = [1], sizes = [1], strides = [1]} : vector<16xi32> to vector<1xi32>
      %squeeze3A_478 = vector.extract %slice3A_477[0] : i32 from vector<1xi32>
      %and3A_479 = arith.constant 127 : i32
      %and3A_480 = arith.andi %squeeze3A_478, %and3A_479 : i32
      %add3A_481 = arith.constant 128 : i32
      %add3A_482 = arith.addi %and3A_480, %add3A_481 : i32
      %broadcast_in_dim3A_483 = vector.broadcast %add3A_482 : i32 to vector<16xi32>
      %mul3A_484 = arith.constant 8 : i32
      %mul3A_485 = arith.muli %add3A_454, %mul3A_484 : i32
      %add3A_486 = arith.constant 1 : i32
      %add3A_487 = arith.addi %mul3A_485, %add3A_486 : i32
      %broadcast_in_dim3A_488 = vector.broadcast %add3A_487 : i32 to vector<16xi32>
      %add3A_489 = arith.constant 0 : i32
      %add3A_490 = vector.broadcast %add3A_489 : i32 to vector<16xi32>
      %add3A_491 = arith.addi %iota3A, %add3A_490 : vector<16xi32>
      %gather3A_492 = tpu.vector_load_idx %arg6[%add3A_491, %broadcast_in_dim3A_483] : memref<32x1024xf32, #tpu.memory_space<vmem>>[vector<16xi32>, vector<16xi32>], vector<16xf32>,
      tpu.vector_store_idx %arg8[%add3A_491, %broadcast_in_dim3A_488], %gather3A_492 : memref<32x512xf32, #tpu.memory_space<vmem>>[vector<16xi32>, vector<16xi32>], vector<16xf32>,
      %add3A_493 = arith.constant 16 : i32
      %add3A_494 = vector.broadcast %add3A_493 : i32 to vector<16xi32>
      %add3A_495 = arith.addi %iota3A, %add3A_494 : vector<16xi32>
      %gather3A_496 = tpu.vector_load_idx %arg6[%add3A_495, %broadcast_in_dim3A_483] : memref<32x1024xf32, #tpu.memory_space<vmem>>[vector<16xi32>, vector<16xi32>], vector<16xf32>,
      tpu.vector_store_idx %arg8[%add3A_495, %broadcast_in_dim3A_488], %gather3A_496 : memref<32x512xf32, #tpu.memory_space<vmem>>[vector<16xi32>, vector<16xi32>], vector<16xf32>,
      %slice3A_497 = vector.extract_strided_slice %get3A_441 {offsets = [2], sizes = [1], strides = [1]} : vector<16xi32> to vector<1xi32>
      %squeeze3A_498 = vector.extract %slice3A_497[0] : i32 from vector<1xi32>
      %and3A_499 = arith.constant 127 : i32
      %and3A_500 = arith.andi %squeeze3A_498, %and3A_499 : i32
      %add3A_501 = arith.constant 256 : i32
      %add3A_502 = arith.addi %and3A_500, %add3A_501 : i32
      %broadcast_in_dim3A_503 = vector.broadcast %add3A_502 : i32 to vector<16xi32>
      %mul3A_504 = arith.constant 8 : i32
      %mul3A_505 = arith.muli %add3A_454, %mul3A_504 : i32
      %add3A_506 = arith.constant 2 : i32
      %add3A_507 = arith.addi %mul3A_505, %add3A_506 : i32
      %broadcast_in_dim3A_508 = vector.broadcast %add3A_507 : i32 to vector<16xi32>
      %add3A_509 = arith.constant 0 : i32
      %add3A_510 = vector.broadcast %add3A_509 : i32 to vector<16xi32>
      %add3A_511 = arith.addi %iota3A, %add3A_510 : vector<16xi32>
      %gather3A_512 = tpu.vector_load_idx %arg6[%add3A_511, %broadcast_in_dim3A_503] : memref<32x1024xf32, #tpu.memory_space<vmem>>[vector<16xi32>, vector<16xi32>], vector<16xf32>,
      tpu.vector_store_idx %arg8[%add3A_511, %broadcast_in_dim3A_508], %gather3A_512 : memref<32x512xf32, #tpu.memory_space<vmem>>[vector<16xi32>, vector<16xi32>], vector<16xf32>,
      %add3A_513 = arith.constant 16 : i32
      %add3A_514 = vector.broadcast %add3A_513 : i32 to vector<16xi32>
      %add3A_515 = arith.addi %iota3A, %add3A_514 : vector<16xi32>
      %gather3A_516 = tpu.vector_load_idx %arg6[%add3A_515, %broadcast_in_dim3A_503] : memref<32x1024xf32, #tpu.memory_space<vmem>>[vector<16xi32>, vector<16xi32>], vector<16xf32>,
      tpu.vector_store_idx %arg8[%add3A_515, %broadcast_in_dim3A_508], %gather3A_516 : memref<32x512xf32, #tpu.memory_space<vmem>>[vector<16xi32>, vector<16xi32>], vector<16xf32>,
      %slice3A_517 = vector.extract_strided_slice %get3A_441 {offsets = [3], sizes = [1], strides = [1]} : vector<16xi32> to vector<1xi32>
      %squeeze3A_518 = vector.extract %slice3A_517[0] : i32 from vector<1xi32>
      %and3A_519 = arith.constant 127 : i32
      %and3A_520 = arith.andi %squeeze3A_518, %and3A_519 : i32
      %add3A_521 = arith.constant 384 : i32
      %add3A_522 = arith.addi %and3A_520, %add3A_521 : i32
      %broadcast_in_dim3A_523 = vector.broadcast %add3A_522 : i32 to vector<16xi32>
      %mul3A_524 = arith.constant 8 : i32
      %mul3A_525 = arith.muli %add3A_454, %mul3A_524 : i32
      %add3A_526 = arith.constant 3 : i32
      %add3A_527 = arith.addi %mul3A_525, %add3A_526 : i32
      %broadcast_in_dim3A_528 = vector.broadcast %add3A_527 : i32 to vector<16xi32>
      %add3A_529 = arith.constant 0 : i32
      %add3A_530 = vector.broadcast %add3A_529 : i32 to vector<16xi32>
      %add3A_531 = arith.addi %iota3A, %add3A_530 : vector<16xi32>
      %gather3A_532 = tpu.vector_load_idx %arg6[%add3A_531, %broadcast_in_dim3A_523] : memref<32x1024xf32, #tpu.memory_space<vmem>>[vector<16xi32>, vector<16xi32>], vector<16xf32>,
      tpu.vector_store_idx %arg8[%add3A_531, %broadcast_in_dim3A_528], %gather3A_532 : memref<32x512xf32, #tpu.memory_space<vmem>>[vector<16xi32>, vector<16xi32>], vector<16xf32>,
      %add3A_533 = arith.constant 16 : i32
      %add3A_534 = vector.broadcast %add3A_533 : i32 to vector<16xi32>
      %add3A_535 = arith.addi %iota3A, %add3A_534 : vector<16xi32>
      %gather3A_536 = tpu.vector_load_idx %arg6[%add3A_535, %broadcast_in_dim3A_523] : memref<32x1024xf32, #tpu.memory_space<vmem>>[vector<16xi32>, vector<16xi32>], vector<16xf32>,
      tpu.vector_store_idx %arg8[%add3A_535, %broadcast_in_dim3A_528], %gather3A_536 : memref<32x512xf32, #tpu.memory_space<vmem>>[vector<16xi32>, vector<16xi32>], vector<16xf32>,
      %slice3A_537 = vector.extract_strided_slice %get3A_441 {offsets = [4], sizes = [1], strides = [1]} : vector<16xi32> to vector<1xi32>
      %squeeze3A_538 = vector.extract %slice3A_537[0] : i32 from vector<1xi32>
      %and3A_539 = arith.constant 127 : i32
      %and3A_540 = arith.andi %squeeze3A_538, %and3A_539 : i32
      %add3A_541 = arith.constant 512 : i32
      %add3A_542 = arith.addi %and3A_540, %add3A_541 : i32
      %broadcast_in_dim3A_543 = vector.broadcast %add3A_542 : i32 to vector<16xi32>
      %mul3A_544 = arith.constant 8 : i32
      %mul3A_545 = arith.muli %add3A_454, %mul3A_544 : i32
      %add3A_546 = arith.constant 4 : i32
      %add3A_547 = arith.addi %mul3A_545, %add3A_546 : i32
      %broadcast_in_dim3A_548 = vector.broadcast %add3A_547 : i32 to vector<16xi32>
      %add3A_549 = arith.constant 0 : i32
      %add3A_550 = vector.broadcast %add3A_549 : i32 to vector<16xi32>
      %add3A_551 = arith.addi %iota3A, %add3A_550 : vector<16xi32>
      %gather3A_552 = tpu.vector_load_idx %arg6[%add3A_551, %broadcast_in_dim3A_543] : memref<32x1024xf32, #tpu.memory_space<vmem>>[vector<16xi32>, vector<16xi32>], vector<16xf32>,
      tpu.vector_store_idx %arg8[%add3A_551, %broadcast_in_dim3A_548], %gather3A_552 : memref<32x512xf32, #tpu.memory_space<vmem>>[vector<16xi32>, vector<16xi32>], vector<16xf32>,
      %add3A_553 = arith.constant 16 : i32
      %add3A_554 = vector.broadcast %add3A_553 : i32 to vector<16xi32>
      %add3A_555 = arith.addi %iota3A, %add3A_554 : vector<16xi32>
      %gather3A_556 = tpu.vector_load_idx %arg6[%add3A_555, %broadcast_in_dim3A_543] : memref<32x1024xf32, #tpu.memory_space<vmem>>[vector<16xi32>, vector<16xi32>], vector<16xf32>,
      tpu.vector_store_idx %arg8[%add3A_555, %broadcast_in_dim3A_548], %gather3A_556 : memref<32x512xf32, #tpu.memory_space<vmem>>[vector<16xi32>, vector<16xi32>], vector<16xf32>,
      %slice3A_557 = vector.extract_strided_slice %get3A_441 {offsets = [5], sizes = [1], strides = [1]} : vector<16xi32> to vector<1xi32>
      %squeeze3A_558 = vector.extract %slice3A_557[0] : i32 from vector<1xi32>
      %and3A_559 = arith.constant 127 : i32
      %and3A_560 = arith.andi %squeeze3A_558, %and3A_559 : i32
      %add3A_561 = arith.constant 640 : i32
      %add3A_562 = arith.addi %and3A_560, %add3A_561 : i32
      %broadcast_in_dim3A_563 = vector.broadcast %add3A_562 : i32 to vector<16xi32>
      %mul3A_564 = arith.constant 8 : i32
      %mul3A_565 = arith.muli %add3A_454, %mul3A_564 : i32
      %add3A_566 = arith.constant 5 : i32
      %add3A_567 = arith.addi %mul3A_565, %add3A_566 : i32
      %broadcast_in_dim3A_568 = vector.broadcast %add3A_567 : i32 to vector<16xi32>
      %add3A_569 = arith.constant 0 : i32
      %add3A_570 = vector.broadcast %add3A_569 : i32 to vector<16xi32>
      %add3A_571 = arith.addi %iota3A, %add3A_570 : vector<16xi32>
      %gather3A_572 = tpu.vector_load_idx %arg6[%add3A_571, %broadcast_in_dim3A_563] : memref<32x1024xf32, #tpu.memory_space<vmem>>[vector<16xi32>, vector<16xi32>], vector<16xf32>,
      tpu.vector_store_idx %arg8[%add3A_571, %broadcast_in_dim3A_568], %gather3A_572 : memref<32x512xf32, #tpu.memory_space<vmem>>[vector<16xi32>, vector<16xi32>], vector<16xf32>,
      %add3A_573 = arith.constant 16 : i32
      %add3A_574 = vector.broadcast %add3A_573 : i32 to vector<16xi32>
      %add3A_575 = arith.addi %iota3A, %add3A_574 : vector<16xi32>
      %gather3A_576 = tpu.vector_load_idx %arg6[%add3A_575, %broadcast_in_dim3A_563] : memref<32x1024xf32, #tpu.memory_space<vmem>>[vector<16xi32>, vector<16xi32>], vector<16xf32>,
      tpu.vector_store_idx %arg8[%add3A_575, %broadcast_in_dim3A_568], %gather3A_576 : memref<32x512xf32, #tpu.memory_space<vmem>>[vector<16xi32>, vector<16xi32>], vector<16xf32>,
      %slice3A_577 = vector.extract_strided_slice %get3A_441 {offsets = [6], sizes = [1], strides = [1]} : vector<16xi32> to vector<1xi32>
      %squeeze3A_578 = vector.extract %slice3A_577[0] : i32 from vector<1xi32>
      %and3A_579 = arith.constant 127 : i32
      %and3A_580 = arith.andi %squeeze3A_578, %and3A_579 : i32
      %add3A_581 = arith.constant 768 : i32
      %add3A_582 = arith.addi %and3A_580, %add3A_581 : i32
      %broadcast_in_dim3A_583 = vector.broadcast %add3A_582 : i32 to vector<16xi32>
      %mul3A_584 = arith.constant 8 : i32
      %mul3A_585 = arith.muli %add3A_454, %mul3A_584 : i32
      %add3A_586 = arith.constant 6 : i32
      %add3A_587 = arith.addi %mul3A_585, %add3A_586 : i32
      %broadcast_in_dim3A_588 = vector.broadcast %add3A_587 : i32 to vector<16xi32>
      %add3A_589 = arith.constant 0 : i32
      %add3A_590 = vector.broadcast %add3A_589 : i32 to vector<16xi32>
      %add3A_591 = arith.addi %iota3A, %add3A_590 : vector<16xi32>
      %gather3A_592 = tpu.vector_load_idx %arg6[%add3A_591, %broadcast_in_dim3A_583] : memref<32x1024xf32, #tpu.memory_space<vmem>>[vector<16xi32>, vector<16xi32>], vector<16xf32>,
      tpu.vector_store_idx %arg8[%add3A_591, %broadcast_in_dim3A_588], %gather3A_592 : memref<32x512xf32, #tpu.memory_space<vmem>>[vector<16xi32>, vector<16xi32>], vector<16xf32>,
      %add3A_593 = arith.constant 16 : i32
      %add3A_594 = vector.broadcast %add3A_593 : i32 to vector<16xi32>
      %add3A_595 = arith.addi %iota3A, %add3A_594 : vector<16xi32>
      %gather3A_596 = tpu.vector_load_idx %arg6[%add3A_595, %broadcast_in_dim3A_583] : memref<32x1024xf32, #tpu.memory_space<vmem>>[vector<16xi32>, vector<16xi32>], vector<16xf32>,
      tpu.vector_store_idx %arg8[%add3A_595, %broadcast_in_dim3A_588], %gather3A_596 : memref<32x512xf32, #tpu.memory_space<vmem>>[vector<16xi32>, vector<16xi32>], vector<16xf32>,
      %slice3A_597 = vector.extract_strided_slice %get3A_441 {offsets = [7], sizes = [1], strides = [1]} : vector<16xi32> to vector<1xi32>
      %squeeze3A_598 = vector.extract %slice3A_597[0] : i32 from vector<1xi32>
      %and3A_599 = arith.constant 127 : i32
      %and3A_600 = arith.andi %squeeze3A_598, %and3A_599 : i32
      %add3A_601 = arith.constant 896 : i32
      %add3A_602 = arith.addi %and3A_600, %add3A_601 : i32
      %broadcast_in_dim3A_603 = vector.broadcast %add3A_602 : i32 to vector<16xi32>
      %mul3A_604 = arith.constant 8 : i32
      %mul3A_605 = arith.muli %add3A_454, %mul3A_604 : i32
      %add3A_606 = arith.constant 7 : i32
      %add3A_607 = arith.addi %mul3A_605, %add3A_606 : i32
      %broadcast_in_dim3A_608 = vector.broadcast %add3A_607 : i32 to vector<16xi32>
      %add3A_609 = arith.constant 0 : i32
      %add3A_610 = vector.broadcast %add3A_609 : i32 to vector<16xi32>
      %add3A_611 = arith.addi %iota3A, %add3A_610 : vector<16xi32>
      %gather3A_612 = tpu.vector_load_idx %arg6[%add3A_611, %broadcast_in_dim3A_603] : memref<32x1024xf32, #tpu.memory_space<vmem>>[vector<16xi32>, vector<16xi32>], vector<16xf32>,
      tpu.vector_store_idx %arg8[%add3A_611, %broadcast_in_dim3A_608], %gather3A_612 : memref<32x512xf32, #tpu.memory_space<vmem>>[vector<16xi32>, vector<16xi32>], vector<16xf32>,
      %add3A_613 = arith.constant 16 : i32
      %add3A_614 = vector.broadcast %add3A_613 : i32 to vector<16xi32>
      %add3A_615 = arith.addi %iota3A, %add3A_614 : vector<16xi32>
      %gather3A_616 = tpu.vector_load_idx %arg6[%add3A_615, %broadcast_in_dim3A_603] : memref<32x1024xf32, #tpu.memory_space<vmem>>[vector<16xi32>, vector<16xi32>], vector<16xf32>,
      tpu.vector_store_idx %arg8[%add3A_615, %broadcast_in_dim3A_608], %gather3A_616 : memref<32x512xf32, #tpu.memory_space<vmem>>[vector<16xi32>, vector<16xi32>], vector<16xf32>,
      %add3A_617 = arith.constant 2 : i32
      %add3A_618 = arith.addi %add3A_454, %add3A_617 : i32
      %lt3A = arith.constant 64 : i32
      %lt3A_619 = arith.cmpi slt, %add3A_618, %lt3A : i32
      %convert_element_type3A = arith.extui %lt3A_619 : i1 to i32
      %cond3A = arith.constant 0 : i32
      %cond3A_620 = arith.cmpi ne, %convert_element_type3A, %cond3A : i32
      scf.if %cond3A_620 {
        %slice3A_798 = vector.extract_strided_slice %get3A_450 {offsets = [0], sizes = [1], strides = [1]} : vector<16xi32> to vector<1xi32>
        %squeeze3A_799 = vector.extract %slice3A_798[0] : i32 from vector<1xi32>
        %shift_right_arithmetic3A_800 = arith.constant 7 : i32
        %shift_right_arithmetic3A_801 = arith.shrsi %squeeze3A_799, %shift_right_arithmetic3A_800 : i32
        %shift_left3A_802 = arith.constant 7 : i32
        %shift_left3A_803 = arith.shli %shift_right_arithmetic3A_801, %shift_left3A_802 : i32
        %multiple_of3A_804 = tpu.assume_multiple %shift_left3A_803, 128 : i32
        %dma_start3A_805 = arith.constant 0 : i32
        %dma_start3A_806 = arith.constant 0 : i32
        %dma_start3A_807 = tpu.memref_slice %arg6[%dma_start3A_805, %dma_start3A_806] : memref<32x1024xf32, #tpu.memory_space<vmem>> -> memref<16x128xf32, #tpu.memory_space<vmem>>
        %dma_start3A_808 = arith.constant 0 : i32
        %dma_start3A_809 = tpu.memref_slice %arg3[%dma_start3A_808, %multiple_of3A_804] : memref<32x1000000xf32, #tpu.memory_space<hbm>> -> memref<16x128xf32, #tpu.memory_space<hbm>>
        %dma_start3A_810 = arith.constant 0 : i32
        %dma_start3A_811 = arith.constant 0 : i32
        %dma_start3A_812 = tpu.memref_slice %arg6[%dma_start3A_810, %dma_start3A_811] : memref<32x1024xf32, #tpu.memory_space<vmem>> -> memref<16x128xf32, #tpu.memory_space<vmem>>
        %dma_start3A_813 = arith.constant 0 : i32
        %dma_start3A_814 = tpu.memref_slice %arg3[%dma_start3A_813, %multiple_of3A_804] : memref<32x1000000xf32, #tpu.memory_space<hbm>> -> memref<16x128xf32, #tpu.memory_space<hbm>>
        tpu.enqueue_dma source(%dma_start3A_814 : memref<16x128xf32, #tpu.memory_space<hbm>>) target(%dma_start3A_812 : memref<16x128xf32, #tpu.memory_space<vmem>>) target_semaphore(%arg9 : memref<!tpu.dma_semaphore, #tpu.memory_space<semaphore_mem>>)
        %dma_start3A_815 = arith.constant 16 : i32
        %dma_start3A_816 = arith.constant 0 : i32
        %dma_start3A_817 = tpu.memref_slice %arg6[%dma_start3A_815, %dma_start3A_816] : memref<32x1024xf32, #tpu.memory_space<vmem>> -> memref<16x128xf32, #tpu.memory_space<vmem>>
        %dma_start3A_818 = arith.constant 16 : i32
        %dma_start3A_819 = tpu.memref_slice %arg3[%dma_start3A_818, %multiple_of3A_804] : memref<32x1000000xf32, #tpu.memory_space<hbm>> -> memref<16x128xf32, #tpu.memory_space<hbm>>
        %dma_start3A_820 = arith.constant 16 : i32
        %dma_start3A_821 = arith.constant 0 : i32
        %dma_start3A_822 = tpu.memref_slice %arg6[%dma_start3A_820, %dma_start3A_821] : memref<32x1024xf32, #tpu.memory_space<vmem>> -> memref<16x128xf32, #tpu.memory_space<vmem>>
        %dma_start3A_823 = arith.constant 16 : i32
        %dma_start3A_824 = tpu.memref_slice %arg3[%dma_start3A_823, %multiple_of3A_804] : memref<32x1000000xf32, #tpu.memory_space<hbm>> -> memref<16x128xf32, #tpu.memory_space<hbm>>
        tpu.enqueue_dma source(%dma_start3A_824 : memref<16x128xf32, #tpu.memory_space<hbm>>) target(%dma_start3A_822 : memref<16x128xf32, #tpu.memory_space<vmem>>) target_semaphore(%arg9 : memref<!tpu.dma_semaphore, #tpu.memory_space<semaphore_mem>>)
        %slice3A_825 = vector.extract_strided_slice %get3A_450 {offsets = [1], sizes = [1], strides = [1]} : vector<16xi32> to vector<1xi32>
        %squeeze3A_826 = vector.extract %slice3A_825[0] : i32 from vector<1xi32>
        %shift_right_arithmetic3A_827 = arith.constant 7 : i32
        %shift_right_arithmetic3A_828 = arith.shrsi %squeeze3A_826, %shift_right_arithmetic3A_827 : i32
        %shift_left3A_829 = arith.constant 7 : i32
        %shift_left3A_830 = arith.shli %shift_right_arithmetic3A_828, %shift_left3A_829 : i32
        %multiple_of3A_831 = tpu.assume_multiple %shift_left3A_830, 128 : i32
        %dma_start3A_832 = arith.constant 0 : i32
        %dma_start3A_833 = arith.constant 128 : i32
        %dma_start3A_834 = tpu.memref_slice %arg6[%dma_start3A_832, %dma_start3A_833] : memref<32x1024xf32, #tpu.memory_space<vmem>> -> memref<16x128xf32, #tpu.memory_space<vmem>>
        %dma_start3A_835 = arith.constant 0 : i32
        %dma_start3A_836 = tpu.memref_slice %arg3[%dma_start3A_835, %multiple_of3A_831] : memref<32x1000000xf32, #tpu.memory_space<hbm>> -> memref<16x128xf32, #tpu.memory_space<hbm>>
        %dma_start3A_837 = arith.constant 0 : i32
        %dma_start3A_838 = arith.constant 128 : i32
        %dma_start3A_839 = tpu.memref_slice %arg6[%dma_start3A_837, %dma_start3A_838] : memref<32x1024xf32, #tpu.memory_space<vmem>> -> memref<16x128xf32, #tpu.memory_space<vmem>>
        %dma_start3A_840 = arith.constant 0 : i32
        %dma_start3A_841 = tpu.memref_slice %arg3[%dma_start3A_840, %multiple_of3A_831] : memref<32x1000000xf32, #tpu.memory_space<hbm>> -> memref<16x128xf32, #tpu.memory_space<hbm>>
        tpu.enqueue_dma source(%dma_start3A_841 : memref<16x128xf32, #tpu.memory_space<hbm>>) target(%dma_start3A_839 : memref<16x128xf32, #tpu.memory_space<vmem>>) target_semaphore(%arg9 : memref<!tpu.dma_semaphore, #tpu.memory_space<semaphore_mem>>)
        %dma_start3A_842 = arith.constant 16 : i32
        %dma_start3A_843 = arith.constant 128 : i32
        %dma_start3A_844 = tpu.memref_slice %arg6[%dma_start3A_842, %dma_start3A_843] : memref<32x1024xf32, #tpu.memory_space<vmem>> -> memref<16x128xf32, #tpu.memory_space<vmem>>
        %dma_start3A_845 = arith.constant 16 : i32
        %dma_start3A_846 = tpu.memref_slice %arg3[%dma_start3A_845, %multiple_of3A_831] : memref<32x1000000xf32, #tpu.memory_space<hbm>> -> memref<16x128xf32, #tpu.memory_space<hbm>>
        %dma_start3A_847 = arith.constant 16 : i32
        %dma_start3A_848 = arith.constant 128 : i32
        %dma_start3A_849 = tpu.memref_slice %arg6[%dma_start3A_847, %dma_start3A_848] : memref<32x1024xf32, #tpu.memory_space<vmem>> -> memref<16x128xf32, #tpu.memory_space<vmem>>
        %dma_start3A_850 = arith.constant 16 : i32
        %dma_start3A_851 = tpu.memref_slice %arg3[%dma_start3A_850, %multiple_of3A_831] : memref<32x1000000xf32, #tpu.memory_space<hbm>> -> memref<16x128xf32, #tpu.memory_space<hbm>>
        tpu.enqueue_dma source(%dma_start3A_851 : memref<16x128xf32, #tpu.memory_space<hbm>>) target(%dma_start3A_849 : memref<16x128xf32, #tpu.memory_space<vmem>>) target_semaphore(%arg9 : memref<!tpu.dma_semaphore, #tpu.memory_space<semaphore_mem>>)
        %slice3A_852 = vector.extract_strided_slice %get3A_450 {offsets = [2], sizes = [1], strides = [1]} : vector<16xi32> to vector<1xi32>
        %squeeze3A_853 = vector.extract %slice3A_852[0] : i32 from vector<1xi32>
        %shift_right_arithmetic3A_854 = arith.constant 7 : i32
        %shift_right_arithmetic3A_855 = arith.shrsi %squeeze3A_853, %shift_right_arithmetic3A_854 : i32
        %shift_left3A_856 = arith.constant 7 : i32
        %shift_left3A_857 = arith.shli %shift_right_arithmetic3A_855, %shift_left3A_856 : i32
        %multiple_of3A_858 = tpu.assume_multiple %shift_left3A_857, 128 : i32
        %dma_start3A_859 = arith.constant 0 : i32
        %dma_start3A_860 = arith.constant 256 : i32
        %dma_start3A_861 = tpu.memref_slice %arg6[%dma_start3A_859, %dma_start3A_860] : memref<32x1024xf32, #tpu.memory_space<vmem>> -> memref<16x128xf32, #tpu.memory_space<vmem>>
        %dma_start3A_862 = arith.constant 0 : i32
        %dma_start3A_863 = tpu.memref_slice %arg3[%dma_start3A_862, %multiple_of3A_858] : memref<32x1000000xf32, #tpu.memory_space<hbm>> -> memref<16x128xf32, #tpu.memory_space<hbm>>
        %dma_start3A_864 = arith.constant 0 : i32
        %dma_start3A_865 = arith.constant 256 : i32
        %dma_start3A_866 = tpu.memref_slice %arg6[%dma_start3A_864, %dma_start3A_865] : memref<32x1024xf32, #tpu.memory_space<vmem>> -> memref<16x128xf32, #tpu.memory_space<vmem>>
        %dma_start3A_867 = arith.constant 0 : i32
        %dma_start3A_868 = tpu.memref_slice %arg3[%dma_start3A_867, %multiple_of3A_858] : memref<32x1000000xf32, #tpu.memory_space<hbm>> -> memref<16x128xf32, #tpu.memory_space<hbm>>
        tpu.enqueue_dma source(%dma_start3A_868 : memref<16x128xf32, #tpu.memory_space<hbm>>) target(%dma_start3A_866 : memref<16x128xf32, #tpu.memory_space<vmem>>) target_semaphore(%arg9 : memref<!tpu.dma_semaphore, #tpu.memory_space<semaphore_mem>>)
        %dma_start3A_869 = arith.constant 16 : i32
        %dma_start3A_870 = arith.constant 256 : i32
        %dma_start3A_871 = tpu.memref_slice %arg6[%dma_start3A_869, %dma_start3A_870] : memref<32x1024xf32, #tpu.memory_space<vmem>> -> memref<16x128xf32, #tpu.memory_space<vmem>>
        %dma_start3A_872 = arith.constant 16 : i32
        %dma_start3A_873 = tpu.memref_slice %arg3[%dma_start3A_872, %multiple_of3A_858] : memref<32x1000000xf32, #tpu.memory_space<hbm>> -> memref<16x128xf32, #tpu.memory_space<hbm>>
        %dma_start3A_874 = arith.constant 16 : i32
        %dma_start3A_875 = arith.constant 256 : i32
        %dma_start3A_876 = tpu.memref_slice %arg6[%dma_start3A_874, %dma_start3A_875] : memref<32x1024xf32, #tpu.memory_space<vmem>> -> memref<16x128xf32, #tpu.memory_space<vmem>>
        %dma_start3A_877 = arith.constant 16 : i32
        %dma_start3A_878 = tpu.memref_slice %arg3[%dma_start3A_877, %multiple_of3A_858] : memref<32x1000000xf32, #tpu.memory_space<hbm>> -> memref<16x128xf32, #tpu.memory_space<hbm>>
        tpu.enqueue_dma source(%dma_start3A_878 : memref<16x128xf32, #tpu.memory_space<hbm>>) target(%dma_start3A_876 : memref<16x128xf32, #tpu.memory_space<vmem>>) target_semaphore(%arg9 : memref<!tpu.dma_semaphore, #tpu.memory_space<semaphore_mem>>)
        %slice3A_879 = vector.extract_strided_slice %get3A_450 {offsets = [3], sizes = [1], strides = [1]} : vector<16xi32> to vector<1xi32>
        %squeeze3A_880 = vector.extract %slice3A_879[0] : i32 from vector<1xi32>
        %shift_right_arithmetic3A_881 = arith.constant 7 : i32
        %shift_right_arithmetic3A_882 = arith.shrsi %squeeze3A_880, %shift_right_arithmetic3A_881 : i32
        %shift_left3A_883 = arith.constant 7 : i32
        %shift_left3A_884 = arith.shli %shift_right_arithmetic3A_882, %shift_left3A_883 : i32
        %multiple_of3A_885 = tpu.assume_multiple %shift_left3A_884, 128 : i32
        %dma_start3A_886 = arith.constant 0 : i32
        %dma_start3A_887 = arith.constant 384 : i32
        %dma_start3A_888 = tpu.memref_slice %arg6[%dma_start3A_886, %dma_start3A_887] : memref<32x1024xf32, #tpu.memory_space<vmem>> -> memref<16x128xf32, #tpu.memory_space<vmem>>
        %dma_start3A_889 = arith.constant 0 : i32
        %dma_start3A_890 = tpu.memref_slice %arg3[%dma_start3A_889, %multiple_of3A_885] : memref<32x1000000xf32, #tpu.memory_space<hbm>> -> memref<16x128xf32, #tpu.memory_space<hbm>>
        %dma_start3A_891 = arith.constant 0 : i32
        %dma_start3A_892 = arith.constant 384 : i32
        %dma_start3A_893 = tpu.memref_slice %arg6[%dma_start3A_891, %dma_start3A_892] : memref<32x1024xf32, #tpu.memory_space<vmem>> -> memref<16x128xf32, #tpu.memory_space<vmem>>
        %dma_start3A_894 = arith.constant 0 : i32
        %dma_start3A_895 = tpu.memref_slice %arg3[%dma_start3A_894, %multiple_of3A_885] : memref<32x1000000xf32, #tpu.memory_space<hbm>> -> memref<16x128xf32, #tpu.memory_space<hbm>>
        tpu.enqueue_dma source(%dma_start3A_895 : memref<16x128xf32, #tpu.memory_space<hbm>>) target(%dma_start3A_893 : memref<16x128xf32, #tpu.memory_space<vmem>>) target_semaphore(%arg9 : memref<!tpu.dma_semaphore, #tpu.memory_space<semaphore_mem>>)
        %dma_start3A_896 = arith.constant 16 : i32
        %dma_start3A_897 = arith.constant 384 : i32
        %dma_start3A_898 = tpu.memref_slice %arg6[%dma_start3A_896, %dma_start3A_897] : memref<32x1024xf32, #tpu.memory_space<vmem>> -> memref<16x128xf32, #tpu.memory_space<vmem>>
        %dma_start3A_899 = arith.constant 16 : i32
        %dma_start3A_900 = tpu.memref_slice %arg3[%dma_start3A_899, %multiple_of3A_885] : memref<32x1000000xf32, #tpu.memory_space<hbm>> -> memref<16x128xf32, #tpu.memory_space<hbm>>
        %dma_start3A_901 = arith.constant 16 : i32
        %dma_start3A_902 = arith.constant 384 : i32
        %dma_start3A_903 = tpu.memref_slice %arg6[%dma_start3A_901, %dma_start3A_902] : memref<32x1024xf32, #tpu.memory_space<vmem>> -> memref<16x128xf32, #tpu.memory_space<vmem>>
        %dma_start3A_904 = arith.constant 16 : i32
        %dma_start3A_905 = tpu.memref_slice %arg3[%dma_start3A_904, %multiple_of3A_885] : memref<32x1000000xf32, #tpu.memory_space<hbm>> -> memref<16x128xf32, #tpu.memory_space<hbm>>
        tpu.enqueue_dma source(%dma_start3A_905 : memref<16x128xf32, #tpu.memory_space<hbm>>) target(%dma_start3A_903 : memref<16x128xf32, #tpu.memory_space<vmem>>) target_semaphore(%arg9 : memref<!tpu.dma_semaphore, #tpu.memory_space<semaphore_mem>>)
        %slice3A_906 = vector.extract_strided_slice %get3A_450 {offsets = [4], sizes = [1], strides = [1]} : vector<16xi32> to vector<1xi32>
        %squeeze3A_907 = vector.extract %slice3A_906[0] : i32 from vector<1xi32>
        %shift_right_arithmetic3A_908 = arith.constant 7 : i32
        %shift_right_arithmetic3A_909 = arith.shrsi %squeeze3A_907, %shift_right_arithmetic3A_908 : i32
        %shift_left3A_910 = arith.constant 7 : i32
        %shift_left3A_911 = arith.shli %shift_right_arithmetic3A_909, %shift_left3A_910 : i32
        %multiple_of3A_912 = tpu.assume_multiple %shift_left3A_911, 128 : i32
        %dma_start3A_913 = arith.constant 0 : i32
        %dma_start3A_914 = arith.constant 512 : i32
        %dma_start3A_915 = tpu.memref_slice %arg6[%dma_start3A_913, %dma_start3A_914] : memref<32x1024xf32, #tpu.memory_space<vmem>> -> memref<16x128xf32, #tpu.memory_space<vmem>>
        %dma_start3A_916 = arith.constant 0 : i32
        %dma_start3A_917 = tpu.memref_slice %arg3[%dma_start3A_916, %multiple_of3A_912] : memref<32x1000000xf32, #tpu.memory_space<hbm>> -> memref<16x128xf32, #tpu.memory_space<hbm>>
        %dma_start3A_918 = arith.constant 0 : i32
        %dma_start3A_919 = arith.constant 512 : i32
        %dma_start3A_920 = tpu.memref_slice %arg6[%dma_start3A_918, %dma_start3A_919] : memref<32x1024xf32, #tpu.memory_space<vmem>> -> memref<16x128xf32, #tpu.memory_space<vmem>>
        %dma_start3A_921 = arith.constant 0 : i32
        %dma_start3A_922 = tpu.memref_slice %arg3[%dma_start3A_921, %multiple_of3A_912] : memref<32x1000000xf32, #tpu.memory_space<hbm>> -> memref<16x128xf32, #tpu.memory_space<hbm>>
        tpu.enqueue_dma source(%dma_start3A_922 : memref<16x128xf32, #tpu.memory_space<hbm>>) target(%dma_start3A_920 : memref<16x128xf32, #tpu.memory_space<vmem>>) target_semaphore(%arg9 : memref<!tpu.dma_semaphore, #tpu.memory_space<semaphore_mem>>)
        %dma_start3A_923 = arith.constant 16 : i32
        %dma_start3A_924 = arith.constant 512 : i32
        %dma_start3A_925 = tpu.memref_slice %arg6[%dma_start3A_923, %dma_start3A_924] : memref<32x1024xf32, #tpu.memory_space<vmem>> -> memref<16x128xf32, #tpu.memory_space<vmem>>
        %dma_start3A_926 = arith.constant 16 : i32
        %dma_start3A_927 = tpu.memref_slice %arg3[%dma_start3A_926, %multiple_of3A_912] : memref<32x1000000xf32, #tpu.memory_space<hbm>> -> memref<16x128xf32, #tpu.memory_space<hbm>>
        %dma_start3A_928 = arith.constant 16 : i32
        %dma_start3A_929 = arith.constant 512 : i32
        %dma_start3A_930 = tpu.memref_slice %arg6[%dma_start3A_928, %dma_start3A_929] : memref<32x1024xf32, #tpu.memory_space<vmem>> -> memref<16x128xf32, #tpu.memory_space<vmem>>
        %dma_start3A_931 = arith.constant 16 : i32
        %dma_start3A_932 = tpu.memref_slice %arg3[%dma_start3A_931, %multiple_of3A_912] : memref<32x1000000xf32, #tpu.memory_space<hbm>> -> memref<16x128xf32, #tpu.memory_space<hbm>>
        tpu.enqueue_dma source(%dma_start3A_932 : memref<16x128xf32, #tpu.memory_space<hbm>>) target(%dma_start3A_930 : memref<16x128xf32, #tpu.memory_space<vmem>>) target_semaphore(%arg9 : memref<!tpu.dma_semaphore, #tpu.memory_space<semaphore_mem>>)
        %slice3A_933 = vector.extract_strided_slice %get3A_450 {offsets = [5], sizes = [1], strides = [1]} : vector<16xi32> to vector<1xi32>
        %squeeze3A_934 = vector.extract %slice3A_933[0] : i32 from vector<1xi32>
        %shift_right_arithmetic3A_935 = arith.constant 7 : i32
        %shift_right_arithmetic3A_936 = arith.shrsi %squeeze3A_934, %shift_right_arithmetic3A_935 : i32
        %shift_left3A_937 = arith.constant 7 : i32
        %shift_left3A_938 = arith.shli %shift_right_arithmetic3A_936, %shift_left3A_937 : i32
        %multiple_of3A_939 = tpu.assume_multiple %shift_left3A_938, 128 : i32
        %dma_start3A_940 = arith.constant 0 : i32
        %dma_start3A_941 = arith.constant 640 : i32
        %dma_start3A_942 = tpu.memref_slice %arg6[%dma_start3A_940, %dma_start3A_941] : memref<32x1024xf32, #tpu.memory_space<vmem>> -> memref<16x128xf32, #tpu.memory_space<vmem>>
        %dma_start3A_943 = arith.constant 0 : i32
        %dma_start3A_944 = tpu.memref_slice %arg3[%dma_start3A_943, %multiple_of3A_939] : memref<32x1000000xf32, #tpu.memory_space<hbm>> -> memref<16x128xf32, #tpu.memory_space<hbm>>
        %dma_start3A_945 = arith.constant 0 : i32
        %dma_start3A_946 = arith.constant 640 : i32
        %dma_start3A_947 = tpu.memref_slice %arg6[%dma_start3A_945, %dma_start3A_946] : memref<32x1024xf32, #tpu.memory_space<vmem>> -> memref<16x128xf32, #tpu.memory_space<vmem>>
        %dma_start3A_948 = arith.constant 0 : i32
        %dma_start3A_949 = tpu.memref_slice %arg3[%dma_start3A_948, %multiple_of3A_939] : memref<32x1000000xf32, #tpu.memory_space<hbm>> -> memref<16x128xf32, #tpu.memory_space<hbm>>
        tpu.enqueue_dma source(%dma_start3A_949 : memref<16x128xf32, #tpu.memory_space<hbm>>) target(%dma_start3A_947 : memref<16x128xf32, #tpu.memory_space<vmem>>) target_semaphore(%arg9 : memref<!tpu.dma_semaphore, #tpu.memory_space<semaphore_mem>>)
        %dma_start3A_950 = arith.constant 16 : i32
        %dma_start3A_951 = arith.constant 640 : i32
        %dma_start3A_952 = tpu.memref_slice %arg6[%dma_start3A_950, %dma_start3A_951] : memref<32x1024xf32, #tpu.memory_space<vmem>> -> memref<16x128xf32, #tpu.memory_space<vmem>>
        %dma_start3A_953 = arith.constant 16 : i32
        %dma_start3A_954 = tpu.memref_slice %arg3[%dma_start3A_953, %multiple_of3A_939] : memref<32x1000000xf32, #tpu.memory_space<hbm>> -> memref<16x128xf32, #tpu.memory_space<hbm>>
        %dma_start3A_955 = arith.constant 16 : i32
        %dma_start3A_956 = arith.constant 640 : i32
        %dma_start3A_957 = tpu.memref_slice %arg6[%dma_start3A_955, %dma_start3A_956] : memref<32x1024xf32, #tpu.memory_space<vmem>> -> memref<16x128xf32, #tpu.memory_space<vmem>>
        %dma_start3A_958 = arith.constant 16 : i32
        %dma_start3A_959 = tpu.memref_slice %arg3[%dma_start3A_958, %multiple_of3A_939] : memref<32x1000000xf32, #tpu.memory_space<hbm>> -> memref<16x128xf32, #tpu.memory_space<hbm>>
        tpu.enqueue_dma source(%dma_start3A_959 : memref<16x128xf32, #tpu.memory_space<hbm>>) target(%dma_start3A_957 : memref<16x128xf32, #tpu.memory_space<vmem>>) target_semaphore(%arg9 : memref<!tpu.dma_semaphore, #tpu.memory_space<semaphore_mem>>)
        %slice3A_960 = vector.extract_strided_slice %get3A_450 {offsets = [6], sizes = [1], strides = [1]} : vector<16xi32> to vector<1xi32>
        %squeeze3A_961 = vector.extract %slice3A_960[0] : i32 from vector<1xi32>
        %shift_right_arithmetic3A_962 = arith.constant 7 : i32
        %shift_right_arithmetic3A_963 = arith.shrsi %squeeze3A_961, %shift_right_arithmetic3A_962 : i32
        %shift_left3A_964 = arith.constant 7 : i32
        %shift_left3A_965 = arith.shli %shift_right_arithmetic3A_963, %shift_left3A_964 : i32
        %multiple_of3A_966 = tpu.assume_multiple %shift_left3A_965, 128 : i32
        %dma_start3A_967 = arith.constant 0 : i32
        %dma_start3A_968 = arith.constant 768 : i32
        %dma_start3A_969 = tpu.memref_slice %arg6[%dma_start3A_967, %dma_start3A_968] : memref<32x1024xf32, #tpu.memory_space<vmem>> -> memref<16x128xf32, #tpu.memory_space<vmem>>
        %dma_start3A_970 = arith.constant 0 : i32
        %dma_start3A_971 = tpu.memref_slice %arg3[%dma_start3A_970, %multiple_of3A_966] : memref<32x1000000xf32, #tpu.memory_space<hbm>> -> memref<16x128xf32, #tpu.memory_space<hbm>>
        %dma_start3A_972 = arith.constant 0 : i32
        %dma_start3A_973 = arith.constant 768 : i32
        %dma_start3A_974 = tpu.memref_slice %arg6[%dma_start3A_972, %dma_start3A_973] : memref<32x1024xf32, #tpu.memory_space<vmem>> -> memref<16x128xf32, #tpu.memory_space<vmem>>
        %dma_start3A_975 = arith.constant 0 : i32
        %dma_start3A_976 = tpu.memref_slice %arg3[%dma_start3A_975, %multiple_of3A_966] : memref<32x1000000xf32, #tpu.memory_space<hbm>> -> memref<16x128xf32, #tpu.memory_space<hbm>>
        tpu.enqueue_dma source(%dma_start3A_976 : memref<16x128xf32, #tpu.memory_space<hbm>>) target(%dma_start3A_974 : memref<16x128xf32, #tpu.memory_space<vmem>>) target_semaphore(%arg9 : memref<!tpu.dma_semaphore, #tpu.memory_space<semaphore_mem>>)
        %dma_start3A_977 = arith.constant 16 : i32
        %dma_start3A_978 = arith.constant 768 : i32
        %dma_start3A_979 = tpu.memref_slice %arg6[%dma_start3A_977, %dma_start3A_978] : memref<32x1024xf32, #tpu.memory_space<vmem>> -> memref<16x128xf32, #tpu.memory_space<vmem>>
        %dma_start3A_980 = arith.constant 16 : i32
        %dma_start3A_981 = tpu.memref_slice %arg3[%dma_start3A_980, %multiple_of3A_966] : memref<32x1000000xf32, #tpu.memory_space<hbm>> -> memref<16x128xf32, #tpu.memory_space<hbm>>
        %dma_start3A_982 = arith.constant 16 : i32
        %dma_start3A_983 = arith.constant 768 : i32
        %dma_start3A_984 = tpu.memref_slice %arg6[%dma_start3A_982, %dma_start3A_983] : memref<32x1024xf32, #tpu.memory_space<vmem>> -> memref<16x128xf32, #tpu.memory_space<vmem>>
        %dma_start3A_985 = arith.constant 16 : i32
        %dma_start3A_986 = tpu.memref_slice %arg3[%dma_start3A_985, %multiple_of3A_966] : memref<32x1000000xf32, #tpu.memory_space<hbm>> -> memref<16x128xf32, #tpu.memory_space<hbm>>
        tpu.enqueue_dma source(%dma_start3A_986 : memref<16x128xf32, #tpu.memory_space<hbm>>) target(%dma_start3A_984 : memref<16x128xf32, #tpu.memory_space<vmem>>) target_semaphore(%arg9 : memref<!tpu.dma_semaphore, #tpu.memory_space<semaphore_mem>>)
        %slice3A_987 = vector.extract_strided_slice %get3A_450 {offsets = [7], sizes = [1], strides = [1]} : vector<16xi32> to vector<1xi32>
        %squeeze3A_988 = vector.extract %slice3A_987[0] : i32 from vector<1xi32>
        %shift_right_arithmetic3A_989 = arith.constant 7 : i32
        %shift_right_arithmetic3A_990 = arith.shrsi %squeeze3A_988, %shift_right_arithmetic3A_989 : i32
        %shift_left3A_991 = arith.constant 7 : i32
        %shift_left3A_992 = arith.shli %shift_right_arithmetic3A_990, %shift_left3A_991 : i32
        %multiple_of3A_993 = tpu.assume_multiple %shift_left3A_992, 128 : i32
        %dma_start3A_994 = arith.constant 0 : i32
        %dma_start3A_995 = arith.constant 896 : i32
        %dma_start3A_996 = tpu.memref_slice %arg6[%dma_start3A_994, %dma_start3A_995] : memref<32x1024xf32, #tpu.memory_space<vmem>> -> memref<16x128xf32, #tpu.memory_space<vmem>>
        %dma_start3A_997 = arith.constant 0 : i32
        %dma_start3A_998 = tpu.memref_slice %arg3[%dma_start3A_997, %multiple_of3A_993] : memref<32x1000000xf32, #tpu.memory_space<hbm>> -> memref<16x128xf32, #tpu.memory_space<hbm>>
        %dma_start3A_999 = arith.constant 0 : i32
        %dma_start3A_1000 = arith.constant 896 : i32
        %dma_start3A_1001 = tpu.memref_slice %arg6[%dma_start3A_999, %dma_start3A_1000] : memref<32x1024xf32, #tpu.memory_space<vmem>> -> memref<16x128xf32, #tpu.memory_space<vmem>>
        %dma_start3A_1002 = arith.constant 0 : i32
        %dma_start3A_1003 = tpu.memref_slice %arg3[%dma_start3A_1002, %multiple_of3A_993] : memref<32x1000000xf32, #tpu.memory_space<hbm>> -> memref<16x128xf32, #tpu.memory_space<hbm>>
        tpu.enqueue_dma source(%dma_start3A_1003 : memref<16x128xf32, #tpu.memory_space<hbm>>) target(%dma_start3A_1001 : memref<16x128xf32, #tpu.memory_space<vmem>>) target_semaphore(%arg9 : memref<!tpu.dma_semaphore, #tpu.memory_space<semaphore_mem>>)
        %dma_start3A_1004 = arith.constant 16 : i32
        %dma_start3A_1005 = arith.constant 896 : i32
        %dma_start3A_1006 = tpu.memref_slice %arg6[%dma_start3A_1004, %dma_start3A_1005] : memref<32x1024xf32, #tpu.memory_space<vmem>> -> memref<16x128xf32, #tpu.memory_space<vmem>>
        %dma_start3A_1007 = arith.constant 16 : i32
        %dma_start3A_1008 = tpu.memref_slice %arg3[%dma_start3A_1007, %multiple_of3A_993] : memref<32x1000000xf32, #tpu.memory_space<hbm>> -> memref<16x128xf32, #tpu.memory_space<hbm>>
        %dma_start3A_1009 = arith.constant 16 : i32
        %dma_start3A_1010 = arith.constant 896 : i32
        %dma_start3A_1011 = tpu.memref_slice %arg6[%dma_start3A_1009, %dma_start3A_1010] : memref<32x1024xf32, #tpu.memory_space<vmem>> -> memref<16x128xf32, #tpu.memory_space<vmem>>
        %dma_start3A_1012 = arith.constant 16 : i32
        %dma_start3A_1013 = tpu.memref_slice %arg3[%dma_start3A_1012, %multiple_of3A_993] : memref<32x1000000xf32, #tpu.memory_space<hbm>> -> memref<16x128xf32, #tpu.memory_space<hbm>>
        tpu.enqueue_dma source(%dma_start3A_1013 : memref<16x128xf32, #tpu.memory_space<hbm>>) target(%dma_start3A_1011 : memref<16x128xf32, #tpu.memory_space<vmem>>) target_semaphore(%arg9 : memref<!tpu.dma_semaphore, #tpu.memory_space<semaphore_mem>>)
      } else {
      }
      %mul3A_621 = arith.constant 2 : i32
      %mul3A_622 = arith.muli %scan3A_435, %mul3A_621 : i32
      %add3A_623 = arith.constant 1 : i32
      %add3A_624 = arith.addi %mul3A_622, %add3A_623 : i32
      %dma_wait3A_625 = arith.constant 0 : i32
      %dma_wait3A_626 = arith.constant 0 : i32
      %dma_wait3A_627 = tpu.memref_slice %arg3[%dma_wait3A_625, %dma_wait3A_626] : memref<32x1000000xf32, #tpu.memory_space<hbm>> -> memref<32x1024xf32, #tpu.memory_space<hbm>>
      %dma_wait3A_628 = arith.constant 0 : i32
      %dma_wait3A_629 = arith.constant 0 : i32
      %dma_wait3A_630 = tpu.memref_slice %arg3[%dma_wait3A_628, %dma_wait3A_629] : memref<32x1000000xf32, #tpu.memory_space<hbm>> -> memref<32x1024xf32, #tpu.memory_space<hbm>>
      tpu.wait_dma2 semaphore(%arg10 : memref<!tpu.dma_semaphore, #tpu.memory_space<semaphore_mem>>) src(%dma_wait3A_630 : memref<32x1024xf32, #tpu.memory_space<hbm>>) dst(%arg7 : memref<32x1024xf32, #tpu.memory_space<vmem>>)
      %slice3A_631 = vector.extract_strided_slice %get3A_441 {offsets = [8], sizes = [1], strides = [1]} : vector<16xi32> to vector<1xi32>
      %squeeze3A_632 = vector.extract %slice3A_631[0] : i32 from vector<1xi32>
      %and3A_633 = arith.constant 127 : i32
      %and3A_634 = arith.andi %squeeze3A_632, %and3A_633 : i32
      %add3A_635 = arith.constant 0 : i32
      %add3A_636 = arith.addi %and3A_634, %add3A_635 : i32
      %broadcast_in_dim3A_637 = vector.broadcast %add3A_636 : i32 to vector<16xi32>
      %mul3A_638 = arith.constant 8 : i32
      %mul3A_639 = arith.muli %add3A_624, %mul3A_638 : i32
      %add3A_640 = arith.constant 0 : i32
      %add3A_641 = arith.addi %mul3A_639, %add3A_640 : i32
      %broadcast_in_dim3A_642 = vector.broadcast %add3A_641 : i32 to vector<16xi32>
      %add3A_643 = arith.constant 0 : i32
      %add3A_644 = vector.broadcast %add3A_643 : i32 to vector<16xi32>
      %add3A_645 = arith.addi %iota3A, %add3A_644 : vector<16xi32>
      %gather3A_646 = tpu.vector_load_idx %arg7[%add3A_645, %broadcast_in_dim3A_637] : memref<32x1024xf32, #tpu.memory_space<vmem>>[vector<16xi32>, vector<16xi32>], vector<16xf32>,
      tpu.vector_store_idx %arg8[%add3A_645, %broadcast_in_dim3A_642], %gather3A_646 : memref<32x512xf32, #tpu.memory_space<vmem>>[vector<16xi32>, vector<16xi32>], vector<16xf32>,
      %add3A_647 = arith.constant 16 : i32
      %add3A_648 = vector.broadcast %add3A_647 : i32 to vector<16xi32>
      %add3A_649 = arith.addi %iota3A, %add3A_648 : vector<16xi32>
      %gather3A_650 = tpu.vector_load_idx %arg7[%add3A_649, %broadcast_in_dim3A_637] : memref<32x1024xf32, #tpu.memory_space<vmem>>[vector<16xi32>, vector<16xi32>], vector<16xf32>,
      tpu.vector_store_idx %arg8[%add3A_649, %broadcast_in_dim3A_642], %gather3A_650 : memref<32x512xf32, #tpu.memory_space<vmem>>[vector<16xi32>, vector<16xi32>], vector<16xf32>,
      %slice3A_651 = vector.extract_strided_slice %get3A_441 {offsets = [9], sizes = [1], strides = [1]} : vector<16xi32> to vector<1xi32>
      %squeeze3A_652 = vector.extract %slice3A_651[0] : i32 from vector<1xi32>
      %and3A_653 = arith.constant 127 : i32
      %and3A_654 = arith.andi %squeeze3A_652, %and3A_653 : i32
      %add3A_655 = arith.constant 128 : i32
      %add3A_656 = arith.addi %and3A_654, %add3A_655 : i32
      %broadcast_in_dim3A_657 = vector.broadcast %add3A_656 : i32 to vector<16xi32>
      %mul3A_658 = arith.constant 8 : i32
      %mul3A_659 = arith.muli %add3A_624, %mul3A_658 : i32
      %add3A_660 = arith.constant 1 : i32
      %add3A_661 = arith.addi %mul3A_659, %add3A_660 : i32
      %broadcast_in_dim3A_662 = vector.broadcast %add3A_661 : i32 to vector<16xi32>
      %add3A_663 = arith.constant 0 : i32
      %add3A_664 = vector.broadcast %add3A_663 : i32 to vector<16xi32>
      %add3A_665 = arith.addi %iota3A, %add3A_664 : vector<16xi32>
      %gather3A_666 = tpu.vector_load_idx %arg7[%add3A_665, %broadcast_in_dim3A_657] : memref<32x1024xf32, #tpu.memory_space<vmem>>[vector<16xi32>, vector<16xi32>], vector<16xf32>,
      tpu.vector_store_idx %arg8[%add3A_665, %broadcast_in_dim3A_662], %gather3A_666 : memref<32x512xf32, #tpu.memory_space<vmem>>[vector<16xi32>, vector<16xi32>], vector<16xf32>,
      %add3A_667 = arith.constant 16 : i32
      %add3A_668 = vector.broadcast %add3A_667 : i32 to vector<16xi32>
      %add3A_669 = arith.addi %iota3A, %add3A_668 : vector<16xi32>
      %gather3A_670 = tpu.vector_load_idx %arg7[%add3A_669, %broadcast_in_dim3A_657] : memref<32x1024xf32, #tpu.memory_space<vmem>>[vector<16xi32>, vector<16xi32>], vector<16xf32>,
      tpu.vector_store_idx %arg8[%add3A_669, %broadcast_in_dim3A_662], %gather3A_670 : memref<32x512xf32, #tpu.memory_space<vmem>>[vector<16xi32>, vector<16xi32>], vector<16xf32>,
      %slice3A_671 = vector.extract_strided_slice %get3A_441 {offsets = [10], sizes = [1], strides = [1]} : vector<16xi32> to vector<1xi32>
      %squeeze3A_672 = vector.extract %slice3A_671[0] : i32 from vector<1xi32>
      %and3A_673 = arith.constant 127 : i32
      %and3A_674 = arith.andi %squeeze3A_672, %and3A_673 : i32
      %add3A_675 = arith.constant 256 : i32
      %add3A_676 = arith.addi %and3A_674, %add3A_675 : i32
      %broadcast_in_dim3A_677 = vector.broadcast %add3A_676 : i32 to vector<16xi32>
      %mul3A_678 = arith.constant 8 : i32
      %mul3A_679 = arith.muli %add3A_624, %mul3A_678 : i32
      %add3A_680 = arith.constant 2 : i32
      %add3A_681 = arith.addi %mul3A_679, %add3A_680 : i32
      %broadcast_in_dim3A_682 = vector.broadcast %add3A_681 : i32 to vector<16xi32>
      %add3A_683 = arith.constant 0 : i32
      %add3A_684 = vector.broadcast %add3A_683 : i32 to vector<16xi32>
      %add3A_685 = arith.addi %iota3A, %add3A_684 : vector<16xi32>
      %gather3A_686 = tpu.vector_load_idx %arg7[%add3A_685, %broadcast_in_dim3A_677] : memref<32x1024xf32, #tpu.memory_space<vmem>>[vector<16xi32>, vector<16xi32>], vector<16xf32>,
      tpu.vector_store_idx %arg8[%add3A_685, %broadcast_in_dim3A_682], %gather3A_686 : memref<32x512xf32, #tpu.memory_space<vmem>>[vector<16xi32>, vector<16xi32>], vector<16xf32>,
      %add3A_687 = arith.constant 16 : i32
      %add3A_688 = vector.broadcast %add3A_687 : i32 to vector<16xi32>
      %add3A_689 = arith.addi %iota3A, %add3A_688 : vector<16xi32>
      %gather3A_690 = tpu.vector_load_idx %arg7[%add3A_689, %broadcast_in_dim3A_677] : memref<32x1024xf32, #tpu.memory_space<vmem>>[vector<16xi32>, vector<16xi32>], vector<16xf32>,
      tpu.vector_store_idx %arg8[%add3A_689, %broadcast_in_dim3A_682], %gather3A_690 : memref<32x512xf32, #tpu.memory_space<vmem>>[vector<16xi32>, vector<16xi32>], vector<16xf32>,
      %slice3A_691 = vector.extract_strided_slice %get3A_441 {offsets = [11], sizes = [1], strides = [1]} : vector<16xi32> to vector<1xi32>
      %squeeze3A_692 = vector.extract %slice3A_691[0] : i32 from vector<1xi32>
      %and3A_693 = arith.constant 127 : i32
      %and3A_694 = arith.andi %squeeze3A_692, %and3A_693 : i32
      %add3A_695 = arith.constant 384 : i32
      %add3A_696 = arith.addi %and3A_694, %add3A_695 : i32
      %broadcast_in_dim3A_697 = vector.broadcast %add3A_696 : i32 to vector<16xi32>
      %mul3A_698 = arith.constant 8 : i32
      %mul3A_699 = arith.muli %add3A_624, %mul3A_698 : i32
      %add3A_700 = arith.constant 3 : i32
      %add3A_701 = arith.addi %mul3A_699, %add3A_700 : i32
      %broadcast_in_dim3A_702 = vector.broadcast %add3A_701 : i32 to vector<16xi32>
      %add3A_703 = arith.constant 0 : i32
      %add3A_704 = vector.broadcast %add3A_703 : i32 to vector<16xi32>
      %add3A_705 = arith.addi %iota3A, %add3A_704 : vector<16xi32>
      %gather3A_706 = tpu.vector_load_idx %arg7[%add3A_705, %broadcast_in_dim3A_697] : memref<32x1024xf32, #tpu.memory_space<vmem>>[vector<16xi32>, vector<16xi32>], vector<16xf32>,
      tpu.vector_store_idx %arg8[%add3A_705, %broadcast_in_dim3A_702], %gather3A_706 : memref<32x512xf32, #tpu.memory_space<vmem>>[vector<16xi32>, vector<16xi32>], vector<16xf32>,
      %add3A_707 = arith.constant 16 : i32
      %add3A_708 = vector.broadcast %add3A_707 : i32 to vector<16xi32>
      %add3A_709 = arith.addi %iota3A, %add3A_708 : vector<16xi32>
      %gather3A_710 = tpu.vector_load_idx %arg7[%add3A_709, %broadcast_in_dim3A_697] : memref<32x1024xf32, #tpu.memory_space<vmem>>[vector<16xi32>, vector<16xi32>], vector<16xf32>,
      tpu.vector_store_idx %arg8[%add3A_709, %broadcast_in_dim3A_702], %gather3A_710 : memref<32x512xf32, #tpu.memory_space<vmem>>[vector<16xi32>, vector<16xi32>], vector<16xf32>,
      %slice3A_711 = vector.extract_strided_slice %get3A_441 {offsets = [12], sizes = [1], strides = [1]} : vector<16xi32> to vector<1xi32>
      %squeeze3A_712 = vector.extract %slice3A_711[0] : i32 from vector<1xi32>
      %and3A_713 = arith.constant 127 : i32
      %and3A_714 = arith.andi %squeeze3A_712, %and3A_713 : i32
      %add3A_715 = arith.constant 512 : i32
      %add3A_716 = arith.addi %and3A_714, %add3A_715 : i32
      %broadcast_in_dim3A_717 = vector.broadcast %add3A_716 : i32 to vector<16xi32>
      %mul3A_718 = arith.constant 8 : i32
      %mul3A_719 = arith.muli %add3A_624, %mul3A_718 : i32
      %add3A_720 = arith.constant 4 : i32
      %add3A_721 = arith.addi %mul3A_719, %add3A_720 : i32
      %broadcast_in_dim3A_722 = vector.broadcast %add3A_721 : i32 to vector<16xi32>
      %add3A_723 = arith.constant 0 : i32
      %add3A_724 = vector.broadcast %add3A_723 : i32 to vector<16xi32>
      %add3A_725 = arith.addi %iota3A, %add3A_724 : vector<16xi32>
      %gather3A_726 = tpu.vector_load_idx %arg7[%add3A_725, %broadcast_in_dim3A_717] : memref<32x1024xf32, #tpu.memory_space<vmem>>[vector<16xi32>, vector<16xi32>], vector<16xf32>,
      tpu.vector_store_idx %arg8[%add3A_725, %broadcast_in_dim3A_722], %gather3A_726 : memref<32x512xf32, #tpu.memory_space<vmem>>[vector<16xi32>, vector<16xi32>], vector<16xf32>,
      %add3A_727 = arith.constant 16 : i32
      %add3A_728 = vector.broadcast %add3A_727 : i32 to vector<16xi32>
      %add3A_729 = arith.addi %iota3A, %add3A_728 : vector<16xi32>
      %gather3A_730 = tpu.vector_load_idx %arg7[%add3A_729, %broadcast_in_dim3A_717] : memref<32x1024xf32, #tpu.memory_space<vmem>>[vector<16xi32>, vector<16xi32>], vector<16xf32>,
      tpu.vector_store_idx %arg8[%add3A_729, %broadcast_in_dim3A_722], %gather3A_730 : memref<32x512xf32, #tpu.memory_space<vmem>>[vector<16xi32>, vector<16xi32>], vector<16xf32>,
      %slice3A_731 = vector.extract_strided_slice %get3A_441 {offsets = [13], sizes = [1], strides = [1]} : vector<16xi32> to vector<1xi32>
      %squeeze3A_732 = vector.extract %slice3A_731[0] : i32 from vector<1xi32>
      %and3A_733 = arith.constant 127 : i32
      %and3A_734 = arith.andi %squeeze3A_732, %and3A_733 : i32
      %add3A_735 = arith.constant 640 : i32
      %add3A_736 = arith.addi %and3A_734, %add3A_735 : i32
      %broadcast_in_dim3A_737 = vector.broadcast %add3A_736 : i32 to vector<16xi32>
      %mul3A_738 = arith.constant 8 : i32
      %mul3A_739 = arith.muli %add3A_624, %mul3A_738 : i32
      %add3A_740 = arith.constant 5 : i32
      %add3A_741 = arith.addi %mul3A_739, %add3A_740 : i32
      %broadcast_in_dim3A_742 = vector.broadcast %add3A_741 : i32 to vector<16xi32>
      %add3A_743 = arith.constant 0 : i32
      %add3A_744 = vector.broadcast %add3A_743 : i32 to vector<16xi32>
      %add3A_745 = arith.addi %iota3A, %add3A_744 : vector<16xi32>
      %gather3A_746 = tpu.vector_load_idx %arg7[%add3A_745, %broadcast_in_dim3A_737] : memref<32x1024xf32, #tpu.memory_space<vmem>>[vector<16xi32>, vector<16xi32>], vector<16xf32>,
      tpu.vector_store_idx %arg8[%add3A_745, %broadcast_in_dim3A_742], %gather3A_746 : memref<32x512xf32, #tpu.memory_space<vmem>>[vector<16xi32>, vector<16xi32>], vector<16xf32>,
      %add3A_747 = arith.constant 16 : i32
      %add3A_748 = vector.broadcast %add3A_747 : i32 to vector<16xi32>
      %add3A_749 = arith.addi %iota3A, %add3A_748 : vector<16xi32>
      %gather3A_750 = tpu.vector_load_idx %arg7[%add3A_749, %broadcast_in_dim3A_737] : memref<32x1024xf32, #tpu.memory_space<vmem>>[vector<16xi32>, vector<16xi32>], vector<16xf32>,
      tpu.vector_store_idx %arg8[%add3A_749, %broadcast_in_dim3A_742], %gather3A_750 : memref<32x512xf32, #tpu.memory_space<vmem>>[vector<16xi32>, vector<16xi32>], vector<16xf32>,
      %slice3A_751 = vector.extract_strided_slice %get3A_441 {offsets = [14], sizes = [1], strides = [1]} : vector<16xi32> to vector<1xi32>
      %squeeze3A_752 = vector.extract %slice3A_751[0] : i32 from vector<1xi32>
      %and3A_753 = arith.constant 127 : i32
      %and3A_754 = arith.andi %squeeze3A_752, %and3A_753 : i32
      %add3A_755 = arith.constant 768 : i32
      %add3A_756 = arith.addi %and3A_754, %add3A_755 : i32
      %broadcast_in_dim3A_757 = vector.broadcast %add3A_756 : i32 to vector<16xi32>
      %mul3A_758 = arith.constant 8 : i32
      %mul3A_759 = arith.muli %add3A_624, %mul3A_758 : i32
      %add3A_760 = arith.constant 6 : i32
      %add3A_761 = arith.addi %mul3A_759, %add3A_760 : i32
      %broadcast_in_dim3A_762 = vector.broadcast %add3A_761 : i32 to vector<16xi32>
      %add3A_763 = arith.constant 0 : i32
      %add3A_764 = vector.broadcast %add3A_763 : i32 to vector<16xi32>
      %add3A_765 = arith.addi %iota3A, %add3A_764 : vector<16xi32>
      %gather3A_766 = tpu.vector_load_idx %arg7[%add3A_765, %broadcast_in_dim3A_757] : memref<32x1024xf32, #tpu.memory_space<vmem>>[vector<16xi32>, vector<16xi32>], vector<16xf32>,
      tpu.vector_store_idx %arg8[%add3A_765, %broadcast_in_dim3A_762], %gather3A_766 : memref<32x512xf32, #tpu.memory_space<vmem>>[vector<16xi32>, vector<16xi32>], vector<16xf32>,
      %add3A_767 = arith.constant 16 : i32
      %add3A_768 = vector.broadcast %add3A_767 : i32 to vector<16xi32>
      %add3A_769 = arith.addi %iota3A, %add3A_768 : vector<16xi32>
      %gather3A_770 = tpu.vector_load_idx %arg7[%add3A_769, %broadcast_in_dim3A_757] : memref<32x1024xf32, #tpu.memory_space<vmem>>[vector<16xi32>, vector<16xi32>], vector<16xf32>,
      tpu.vector_store_idx %arg8[%add3A_769, %broadcast_in_dim3A_762], %gather3A_770 : memref<32x512xf32, #tpu.memory_space<vmem>>[vector<16xi32>, vector<16xi32>], vector<16xf32>,
      %slice3A_771 = vector.extract_strided_slice %get3A_441 {offsets = [15], sizes = [1], strides = [1]} : vector<16xi32> to vector<1xi32>
      %squeeze3A_772 = vector.extract %slice3A_771[0] : i32 from vector<1xi32>
      %and3A_773 = arith.constant 127 : i32
      %and3A_774 = arith.andi %squeeze3A_772, %and3A_773 : i32
      %add3A_775 = arith.constant 896 : i32
      %add3A_776 = arith.addi %and3A_774, %add3A_775 : i32
      %broadcast_in_dim3A_777 = vector.broadcast %add3A_776 : i32 to vector<16xi32>
      %mul3A_778 = arith.constant 8 : i32
      %mul3A_779 = arith.muli %add3A_624, %mul3A_778 : i32
      %add3A_780 = arith.constant 7 : i32
      %add3A_781 = arith.addi %mul3A_779, %add3A_780 : i32
      %broadcast_in_dim3A_782 = vector.broadcast %add3A_781 : i32 to vector<16xi32>
      %add3A_783 = arith.constant 0 : i32
      %add3A_784 = vector.broadcast %add3A_783 : i32 to vector<16xi32>
      %add3A_785 = arith.addi %iota3A, %add3A_784 : vector<16xi32>
      %gather3A_786 = tpu.vector_load_idx %arg7[%add3A_785, %broadcast_in_dim3A_777] : memref<32x1024xf32, #tpu.memory_space<vmem>>[vector<16xi32>, vector<16xi32>], vector<16xf32>,
      tpu.vector_store_idx %arg8[%add3A_785, %broadcast_in_dim3A_782], %gather3A_786 : memref<32x512xf32, #tpu.memory_space<vmem>>[vector<16xi32>, vector<16xi32>], vector<16xf32>,
      %add3A_787 = arith.constant 16 : i32
      %add3A_788 = vector.broadcast %add3A_787 : i32 to vector<16xi32>
      %add3A_789 = arith.addi %iota3A, %add3A_788 : vector<16xi32>
      %gather3A_790 = tpu.vector_load_idx %arg7[%add3A_789, %broadcast_in_dim3A_777] : memref<32x1024xf32, #tpu.memory_space<vmem>>[vector<16xi32>, vector<16xi32>], vector<16xf32>,
      tpu.vector_store_idx %arg8[%add3A_789, %broadcast_in_dim3A_782], %gather3A_790 : memref<32x512xf32, #tpu.memory_space<vmem>>[vector<16xi32>, vector<16xi32>], vector<16xf32>,
      %add3A_791 = arith.constant 2 : i32
      %add3A_792 = arith.addi %add3A_624, %add3A_791 : i32
      %lt3A_793 = arith.constant 64 : i32
      %lt3A_794 = arith.cmpi slt, %add3A_792, %lt3A_793 : i32
      %convert_element_type3A_795 = arith.extui %lt3A_794 : i1 to i32
      %cond3A_796 = arith.constant 0 : i32
      %cond3A_797 = arith.cmpi ne, %convert_element_type3A_795, %cond3A_796 : i32
      scf.if %cond3A_797 {
        %slice3A_798 = vector.extract_strided_slice %get3A_450 {offsets = [8], sizes = [1], strides = [1]} : vector<16xi32> to vector<1xi32>
        %squeeze3A_799 = vector.extract %slice3A_798[0] : i32 from vector<1xi32>
        %shift_right_arithmetic3A_800 = arith.constant 7 : i32
        %shift_right_arithmetic3A_801 = arith.shrsi %squeeze3A_799, %shift_right_arithmetic3A_800 : i32
        %shift_left3A_802 = arith.constant 7 : i32
        %shift_left3A_803 = arith.shli %shift_right_arithmetic3A_801, %shift_left3A_802 : i32
        %multiple_of3A_804 = tpu.assume_multiple %shift_left3A_803, 128 : i32
        %dma_start3A_805 = arith.constant 0 : i32
        %dma_start3A_806 = arith.constant 0 : i32
        %dma_start3A_807 = tpu.memref_slice %arg7[%dma_start3A_805, %dma_start3A_806] : memref<32x1024xf32, #tpu.memory_space<vmem>> -> memref<16x128xf32, #tpu.memory_space<vmem>>
        %dma_start3A_808 = arith.constant 0 : i32
        %dma_start3A_809 = tpu.memref_slice %arg3[%dma_start3A_808, %multiple_of3A_804] : memref<32x1000000xf32, #tpu.memory_space<hbm>> -> memref<16x128xf32, #tpu.memory_space<hbm>>
        %dma_start3A_810 = arith.constant 0 : i32
        %dma_start3A_811 = arith.constant 0 : i32
        %dma_start3A_812 = tpu.memref_slice %arg7[%dma_start3A_810, %dma_start3A_811] : memref<32x1024xf32, #tpu.memory_space<vmem>> -> memref<16x128xf32, #tpu.memory_space<vmem>>
        %dma_start3A_813 = arith.constant 0 : i32
        %dma_start3A_814 = tpu.memref_slice %arg3[%dma_start3A_813, %multiple_of3A_804] : memref<32x1000000xf32, #tpu.memory_space<hbm>> -> memref<16x128xf32, #tpu.memory_space<hbm>>
        tpu.enqueue_dma source(%dma_start3A_814 : memref<16x128xf32, #tpu.memory_space<hbm>>) target(%dma_start3A_812 : memref<16x128xf32, #tpu.memory_space<vmem>>) target_semaphore(%arg10 : memref<!tpu.dma_semaphore, #tpu.memory_space<semaphore_mem>>)
        %dma_start3A_815 = arith.constant 16 : i32
        %dma_start3A_816 = arith.constant 0 : i32
        %dma_start3A_817 = tpu.memref_slice %arg7[%dma_start3A_815, %dma_start3A_816] : memref<32x1024xf32, #tpu.memory_space<vmem>> -> memref<16x128xf32, #tpu.memory_space<vmem>>
        %dma_start3A_818 = arith.constant 16 : i32
        %dma_start3A_819 = tpu.memref_slice %arg3[%dma_start3A_818, %multiple_of3A_804] : memref<32x1000000xf32, #tpu.memory_space<hbm>> -> memref<16x128xf32, #tpu.memory_space<hbm>>
        %dma_start3A_820 = arith.constant 16 : i32
        %dma_start3A_821 = arith.constant 0 : i32
        %dma_start3A_822 = tpu.memref_slice %arg7[%dma_start3A_820, %dma_start3A_821] : memref<32x1024xf32, #tpu.memory_space<vmem>> -> memref<16x128xf32, #tpu.memory_space<vmem>>
        %dma_start3A_823 = arith.constant 16 : i32
        %dma_start3A_824 = tpu.memref_slice %arg3[%dma_start3A_823, %multiple_of3A_804] : memref<32x1000000xf32, #tpu.memory_space<hbm>> -> memref<16x128xf32, #tpu.memory_space<hbm>>
        tpu.enqueue_dma source(%dma_start3A_824 : memref<16x128xf32, #tpu.memory_space<hbm>>) target(%dma_start3A_822 : memref<16x128xf32, #tpu.memory_space<vmem>>) target_semaphore(%arg10 : memref<!tpu.dma_semaphore, #tpu.memory_space<semaphore_mem>>)
        %slice3A_825 = vector.extract_strided_slice %get3A_450 {offsets = [9], sizes = [1], strides = [1]} : vector<16xi32> to vector<1xi32>
        %squeeze3A_826 = vector.extract %slice3A_825[0] : i32 from vector<1xi32>
        %shift_right_arithmetic3A_827 = arith.constant 7 : i32
        %shift_right_arithmetic3A_828 = arith.shrsi %squeeze3A_826, %shift_right_arithmetic3A_827 : i32
        %shift_left3A_829 = arith.constant 7 : i32
        %shift_left3A_830 = arith.shli %shift_right_arithmetic3A_828, %shift_left3A_829 : i32
        %multiple_of3A_831 = tpu.assume_multiple %shift_left3A_830, 128 : i32
        %dma_start3A_832 = arith.constant 0 : i32
        %dma_start3A_833 = arith.constant 128 : i32
        %dma_start3A_834 = tpu.memref_slice %arg7[%dma_start3A_832, %dma_start3A_833] : memref<32x1024xf32, #tpu.memory_space<vmem>> -> memref<16x128xf32, #tpu.memory_space<vmem>>
        %dma_start3A_835 = arith.constant 0 : i32
        %dma_start3A_836 = tpu.memref_slice %arg3[%dma_start3A_835, %multiple_of3A_831] : memref<32x1000000xf32, #tpu.memory_space<hbm>> -> memref<16x128xf32, #tpu.memory_space<hbm>>
        %dma_start3A_837 = arith.constant 0 : i32
        %dma_start3A_838 = arith.constant 128 : i32
        %dma_start3A_839 = tpu.memref_slice %arg7[%dma_start3A_837, %dma_start3A_838] : memref<32x1024xf32, #tpu.memory_space<vmem>> -> memref<16x128xf32, #tpu.memory_space<vmem>>
        %dma_start3A_840 = arith.constant 0 : i32
        %dma_start3A_841 = tpu.memref_slice %arg3[%dma_start3A_840, %multiple_of3A_831] : memref<32x1000000xf32, #tpu.memory_space<hbm>> -> memref<16x128xf32, #tpu.memory_space<hbm>>
        tpu.enqueue_dma source(%dma_start3A_841 : memref<16x128xf32, #tpu.memory_space<hbm>>) target(%dma_start3A_839 : memref<16x128xf32, #tpu.memory_space<vmem>>) target_semaphore(%arg10 : memref<!tpu.dma_semaphore, #tpu.memory_space<semaphore_mem>>)
        %dma_start3A_842 = arith.constant 16 : i32
        %dma_start3A_843 = arith.constant 128 : i32
        %dma_start3A_844 = tpu.memref_slice %arg7[%dma_start3A_842, %dma_start3A_843] : memref<32x1024xf32, #tpu.memory_space<vmem>> -> memref<16x128xf32, #tpu.memory_space<vmem>>
        %dma_start3A_845 = arith.constant 16 : i32
        %dma_start3A_846 = tpu.memref_slice %arg3[%dma_start3A_845, %multiple_of3A_831] : memref<32x1000000xf32, #tpu.memory_space<hbm>> -> memref<16x128xf32, #tpu.memory_space<hbm>>
        %dma_start3A_847 = arith.constant 16 : i32
        %dma_start3A_848 = arith.constant 128 : i32
        %dma_start3A_849 = tpu.memref_slice %arg7[%dma_start3A_847, %dma_start3A_848] : memref<32x1024xf32, #tpu.memory_space<vmem>> -> memref<16x128xf32, #tpu.memory_space<vmem>>
        %dma_start3A_850 = arith.constant 16 : i32
        %dma_start3A_851 = tpu.memref_slice %arg3[%dma_start3A_850, %multiple_of3A_831] : memref<32x1000000xf32, #tpu.memory_space<hbm>> -> memref<16x128xf32, #tpu.memory_space<hbm>>
        tpu.enqueue_dma source(%dma_start3A_851 : memref<16x128xf32, #tpu.memory_space<hbm>>) target(%dma_start3A_849 : memref<16x128xf32, #tpu.memory_space<vmem>>) target_semaphore(%arg10 : memref<!tpu.dma_semaphore, #tpu.memory_space<semaphore_mem>>)
        %slice3A_852 = vector.extract_strided_slice %get3A_450 {offsets = [10], sizes = [1], strides = [1]} : vector<16xi32> to vector<1xi32>
        %squeeze3A_853 = vector.extract %slice3A_852[0] : i32 from vector<1xi32>
        %shift_right_arithmetic3A_854 = arith.constant 7 : i32
        %shift_right_arithmetic3A_855 = arith.shrsi %squeeze3A_853, %shift_right_arithmetic3A_854 : i32
        %shift_left3A_856 = arith.constant 7 : i32
        %shift_left3A_857 = arith.shli %shift_right_arithmetic3A_855, %shift_left3A_856 : i32
        %multiple_of3A_858 = tpu.assume_multiple %shift_left3A_857, 128 : i32
        %dma_start3A_859 = arith.constant 0 : i32
        %dma_start3A_860 = arith.constant 256 : i32
        %dma_start3A_861 = tpu.memref_slice %arg7[%dma_start3A_859, %dma_start3A_860] : memref<32x1024xf32, #tpu.memory_space<vmem>> -> memref<16x128xf32, #tpu.memory_space<vmem>>
        %dma_start3A_862 = arith.constant 0 : i32
        %dma_start3A_863 = tpu.memref_slice %arg3[%dma_start3A_862, %multiple_of3A_858] : memref<32x1000000xf32, #tpu.memory_space<hbm>> -> memref<16x128xf32, #tpu.memory_space<hbm>>
        %dma_start3A_864 = arith.constant 0 : i32
        %dma_start3A_865 = arith.constant 256 : i32
        %dma_start3A_866 = tpu.memref_slice %arg7[%dma_start3A_864, %dma_start3A_865] : memref<32x1024xf32, #tpu.memory_space<vmem>> -> memref<16x128xf32, #tpu.memory_space<vmem>>
        %dma_start3A_867 = arith.constant 0 : i32
        %dma_start3A_868 = tpu.memref_slice %arg3[%dma_start3A_867, %multiple_of3A_858] : memref<32x1000000xf32, #tpu.memory_space<hbm>> -> memref<16x128xf32, #tpu.memory_space<hbm>>
        tpu.enqueue_dma source(%dma_start3A_868 : memref<16x128xf32, #tpu.memory_space<hbm>>) target(%dma_start3A_866 : memref<16x128xf32, #tpu.memory_space<vmem>>) target_semaphore(%arg10 : memref<!tpu.dma_semaphore, #tpu.memory_space<semaphore_mem>>)
        %dma_start3A_869 = arith.constant 16 : i32
        %dma_start3A_870 = arith.constant 256 : i32
        %dma_start3A_871 = tpu.memref_slice %arg7[%dma_start3A_869, %dma_start3A_870] : memref<32x1024xf32, #tpu.memory_space<vmem>> -> memref<16x128xf32, #tpu.memory_space<vmem>>
        %dma_start3A_872 = arith.constant 16 : i32
        %dma_start3A_873 = tpu.memref_slice %arg3[%dma_start3A_872, %multiple_of3A_858] : memref<32x1000000xf32, #tpu.memory_space<hbm>> -> memref<16x128xf32, #tpu.memory_space<hbm>>
        %dma_start3A_874 = arith.constant 16 : i32
        %dma_start3A_875 = arith.constant 256 : i32
        %dma_start3A_876 = tpu.memref_slice %arg7[%dma_start3A_874, %dma_start3A_875] : memref<32x1024xf32, #tpu.memory_space<vmem>> -> memref<16x128xf32, #tpu.memory_space<vmem>>
        %dma_start3A_877 = arith.constant 16 : i32
        %dma_start3A_878 = tpu.memref_slice %arg3[%dma_start3A_877, %multiple_of3A_858] : memref<32x1000000xf32, #tpu.memory_space<hbm>> -> memref<16x128xf32, #tpu.memory_space<hbm>>
        tpu.enqueue_dma source(%dma_start3A_878 : memref<16x128xf32, #tpu.memory_space<hbm>>) target(%dma_start3A_876 : memref<16x128xf32, #tpu.memory_space<vmem>>) target_semaphore(%arg10 : memref<!tpu.dma_semaphore, #tpu.memory_space<semaphore_mem>>)
        %slice3A_879 = vector.extract_strided_slice %get3A_450 {offsets = [11], sizes = [1], strides = [1]} : vector<16xi32> to vector<1xi32>
        %squeeze3A_880 = vector.extract %slice3A_879[0] : i32 from vector<1xi32>
        %shift_right_arithmetic3A_881 = arith.constant 7 : i32
        %shift_right_arithmetic3A_882 = arith.shrsi %squeeze3A_880, %shift_right_arithmetic3A_881 : i32
        %shift_left3A_883 = arith.constant 7 : i32
        %shift_left3A_884 = arith.shli %shift_right_arithmetic3A_882, %shift_left3A_883 : i32
        %multiple_of3A_885 = tpu.assume_multiple %shift_left3A_884, 128 : i32
        %dma_start3A_886 = arith.constant 0 : i32
        %dma_start3A_887 = arith.constant 384 : i32
        %dma_start3A_888 = tpu.memref_slice %arg7[%dma_start3A_886, %dma_start3A_887] : memref<32x1024xf32, #tpu.memory_space<vmem>> -> memref<16x128xf32, #tpu.memory_space<vmem>>
        %dma_start3A_889 = arith.constant 0 : i32
        %dma_start3A_890 = tpu.memref_slice %arg3[%dma_start3A_889, %multiple_of3A_885] : memref<32x1000000xf32, #tpu.memory_space<hbm>> -> memref<16x128xf32, #tpu.memory_space<hbm>>
        %dma_start3A_891 = arith.constant 0 : i32
        %dma_start3A_892 = arith.constant 384 : i32
        %dma_start3A_893 = tpu.memref_slice %arg7[%dma_start3A_891, %dma_start3A_892] : memref<32x1024xf32, #tpu.memory_space<vmem>> -> memref<16x128xf32, #tpu.memory_space<vmem>>
        %dma_start3A_894 = arith.constant 0 : i32
        %dma_start3A_895 = tpu.memref_slice %arg3[%dma_start3A_894, %multiple_of3A_885] : memref<32x1000000xf32, #tpu.memory_space<hbm>> -> memref<16x128xf32, #tpu.memory_space<hbm>>
        tpu.enqueue_dma source(%dma_start3A_895 : memref<16x128xf32, #tpu.memory_space<hbm>>) target(%dma_start3A_893 : memref<16x128xf32, #tpu.memory_space<vmem>>) target_semaphore(%arg10 : memref<!tpu.dma_semaphore, #tpu.memory_space<semaphore_mem>>)
        %dma_start3A_896 = arith.constant 16 : i32
        %dma_start3A_897 = arith.constant 384 : i32
        %dma_start3A_898 = tpu.memref_slice %arg7[%dma_start3A_896, %dma_start3A_897] : memref<32x1024xf32, #tpu.memory_space<vmem>> -> memref<16x128xf32, #tpu.memory_space<vmem>>
        %dma_start3A_899 = arith.constant 16 : i32
        %dma_start3A_900 = tpu.memref_slice %arg3[%dma_start3A_899, %multiple_of3A_885] : memref<32x1000000xf32, #tpu.memory_space<hbm>> -> memref<16x128xf32, #tpu.memory_space<hbm>>
        %dma_start3A_901 = arith.constant 16 : i32
        %dma_start3A_902 = arith.constant 384 : i32
        %dma_start3A_903 = tpu.memref_slice %arg7[%dma_start3A_901, %dma_start3A_902] : memref<32x1024xf32, #tpu.memory_space<vmem>> -> memref<16x128xf32, #tpu.memory_space<vmem>>
        %dma_start3A_904 = arith.constant 16 : i32
        %dma_start3A_905 = tpu.memref_slice %arg3[%dma_start3A_904, %multiple_of3A_885] : memref<32x1000000xf32, #tpu.memory_space<hbm>> -> memref<16x128xf32, #tpu.memory_space<hbm>>
        tpu.enqueue_dma source(%dma_start3A_905 : memref<16x128xf32, #tpu.memory_space<hbm>>) target(%dma_start3A_903 : memref<16x128xf32, #tpu.memory_space<vmem>>) target_semaphore(%arg10 : memref<!tpu.dma_semaphore, #tpu.memory_space<semaphore_mem>>)
        %slice3A_906 = vector.extract_strided_slice %get3A_450 {offsets = [12], sizes = [1], strides = [1]} : vector<16xi32> to vector<1xi32>
        %squeeze3A_907 = vector.extract %slice3A_906[0] : i32 from vector<1xi32>
        %shift_right_arithmetic3A_908 = arith.constant 7 : i32
        %shift_right_arithmetic3A_909 = arith.shrsi %squeeze3A_907, %shift_right_arithmetic3A_908 : i32
        %shift_left3A_910 = arith.constant 7 : i32
        %shift_left3A_911 = arith.shli %shift_right_arithmetic3A_909, %shift_left3A_910 : i32
        %multiple_of3A_912 = tpu.assume_multiple %shift_left3A_911, 128 : i32
        %dma_start3A_913 = arith.constant 0 : i32
        %dma_start3A_914 = arith.constant 512 : i32
        %dma_start3A_915 = tpu.memref_slice %arg7[%dma_start3A_913, %dma_start3A_914] : memref<32x1024xf32, #tpu.memory_space<vmem>> -> memref<16x128xf32, #tpu.memory_space<vmem>>
        %dma_start3A_916 = arith.constant 0 : i32
        %dma_start3A_917 = tpu.memref_slice %arg3[%dma_start3A_916, %multiple_of3A_912] : memref<32x1000000xf32, #tpu.memory_space<hbm>> -> memref<16x128xf32, #tpu.memory_space<hbm>>
        %dma_start3A_918 = arith.constant 0 : i32
        %dma_start3A_919 = arith.constant 512 : i32
        %dma_start3A_920 = tpu.memref_slice %arg7[%dma_start3A_918, %dma_start3A_919] : memref<32x1024xf32, #tpu.memory_space<vmem>> -> memref<16x128xf32, #tpu.memory_space<vmem>>
        %dma_start3A_921 = arith.constant 0 : i32
        %dma_start3A_922 = tpu.memref_slice %arg3[%dma_start3A_921, %multiple_of3A_912] : memref<32x1000000xf32, #tpu.memory_space<hbm>> -> memref<16x128xf32, #tpu.memory_space<hbm>>
        tpu.enqueue_dma source(%dma_start3A_922 : memref<16x128xf32, #tpu.memory_space<hbm>>) target(%dma_start3A_920 : memref<16x128xf32, #tpu.memory_space<vmem>>) target_semaphore(%arg10 : memref<!tpu.dma_semaphore, #tpu.memory_space<semaphore_mem>>)
        %dma_start3A_923 = arith.constant 16 : i32
        %dma_start3A_924 = arith.constant 512 : i32
        %dma_start3A_925 = tpu.memref_slice %arg7[%dma_start3A_923, %dma_start3A_924] : memref<32x1024xf32, #tpu.memory_space<vmem>> -> memref<16x128xf32, #tpu.memory_space<vmem>>
        %dma_start3A_926 = arith.constant 16 : i32
        %dma_start3A_927 = tpu.memref_slice %arg3[%dma_start3A_926, %multiple_of3A_912] : memref<32x1000000xf32, #tpu.memory_space<hbm>> -> memref<16x128xf32, #tpu.memory_space<hbm>>
        %dma_start3A_928 = arith.constant 16 : i32
        %dma_start3A_929 = arith.constant 512 : i32
        %dma_start3A_930 = tpu.memref_slice %arg7[%dma_start3A_928, %dma_start3A_929] : memref<32x1024xf32, #tpu.memory_space<vmem>> -> memref<16x128xf32, #tpu.memory_space<vmem>>
        %dma_start3A_931 = arith.constant 16 : i32
        %dma_start3A_932 = tpu.memref_slice %arg3[%dma_start3A_931, %multiple_of3A_912] : memref<32x1000000xf32, #tpu.memory_space<hbm>> -> memref<16x128xf32, #tpu.memory_space<hbm>>
        tpu.enqueue_dma source(%dma_start3A_932 : memref<16x128xf32, #tpu.memory_space<hbm>>) target(%dma_start3A_930 : memref<16x128xf32, #tpu.memory_space<vmem>>) target_semaphore(%arg10 : memref<!tpu.dma_semaphore, #tpu.memory_space<semaphore_mem>>)
        %slice3A_933 = vector.extract_strided_slice %get3A_450 {offsets = [13], sizes = [1], strides = [1]} : vector<16xi32> to vector<1xi32>
        %squeeze3A_934 = vector.extract %slice3A_933[0] : i32 from vector<1xi32>
        %shift_right_arithmetic3A_935 = arith.constant 7 : i32
        %shift_right_arithmetic3A_936 = arith.shrsi %squeeze3A_934, %shift_right_arithmetic3A_935 : i32
        %shift_left3A_937 = arith.constant 7 : i32
        %shift_left3A_938 = arith.shli %shift_right_arithmetic3A_936, %shift_left3A_937 : i32
        %multiple_of3A_939 = tpu.assume_multiple %shift_left3A_938, 128 : i32
        %dma_start3A_940 = arith.constant 0 : i32
        %dma_start3A_941 = arith.constant 640 : i32
        %dma_start3A_942 = tpu.memref_slice %arg7[%dma_start3A_940, %dma_start3A_941] : memref<32x1024xf32, #tpu.memory_space<vmem>> -> memref<16x128xf32, #tpu.memory_space<vmem>>
        %dma_start3A_943 = arith.constant 0 : i32
        %dma_start3A_944 = tpu.memref_slice %arg3[%dma_start3A_943, %multiple_of3A_939] : memref<32x1000000xf32, #tpu.memory_space<hbm>> -> memref<16x128xf32, #tpu.memory_space<hbm>>
        %dma_start3A_945 = arith.constant 0 : i32
        %dma_start3A_946 = arith.constant 640 : i32
        %dma_start3A_947 = tpu.memref_slice %arg7[%dma_start3A_945, %dma_start3A_946] : memref<32x1024xf32, #tpu.memory_space<vmem>> -> memref<16x128xf32, #tpu.memory_space<vmem>>
        %dma_start3A_948 = arith.constant 0 : i32
        %dma_start3A_949 = tpu.memref_slice %arg3[%dma_start3A_948, %multiple_of3A_939] : memref<32x1000000xf32, #tpu.memory_space<hbm>> -> memref<16x128xf32, #tpu.memory_space<hbm>>
        tpu.enqueue_dma source(%dma_start3A_949 : memref<16x128xf32, #tpu.memory_space<hbm>>) target(%dma_start3A_947 : memref<16x128xf32, #tpu.memory_space<vmem>>) target_semaphore(%arg10 : memref<!tpu.dma_semaphore, #tpu.memory_space<semaphore_mem>>)
        %dma_start3A_950 = arith.constant 16 : i32
        %dma_start3A_951 = arith.constant 640 : i32
        %dma_start3A_952 = tpu.memref_slice %arg7[%dma_start3A_950, %dma_start3A_951] : memref<32x1024xf32, #tpu.memory_space<vmem>> -> memref<16x128xf32, #tpu.memory_space<vmem>>
        %dma_start3A_953 = arith.constant 16 : i32
        %dma_start3A_954 = tpu.memref_slice %arg3[%dma_start3A_953, %multiple_of3A_939] : memref<32x1000000xf32, #tpu.memory_space<hbm>> -> memref<16x128xf32, #tpu.memory_space<hbm>>
        %dma_start3A_955 = arith.constant 16 : i32
        %dma_start3A_956 = arith.constant 640 : i32
        %dma_start3A_957 = tpu.memref_slice %arg7[%dma_start3A_955, %dma_start3A_956] : memref<32x1024xf32, #tpu.memory_space<vmem>> -> memref<16x128xf32, #tpu.memory_space<vmem>>
        %dma_start3A_958 = arith.constant 16 : i32
        %dma_start3A_959 = tpu.memref_slice %arg3[%dma_start3A_958, %multiple_of3A_939] : memref<32x1000000xf32, #tpu.memory_space<hbm>> -> memref<16x128xf32, #tpu.memory_space<hbm>>
        tpu.enqueue_dma source(%dma_start3A_959 : memref<16x128xf32, #tpu.memory_space<hbm>>) target(%dma_start3A_957 : memref<16x128xf32, #tpu.memory_space<vmem>>) target_semaphore(%arg10 : memref<!tpu.dma_semaphore, #tpu.memory_space<semaphore_mem>>)
        %slice3A_960 = vector.extract_strided_slice %get3A_450 {offsets = [14], sizes = [1], strides = [1]} : vector<16xi32> to vector<1xi32>
        %squeeze3A_961 = vector.extract %slice3A_960[0] : i32 from vector<1xi32>
        %shift_right_arithmetic3A_962 = arith.constant 7 : i32
        %shift_right_arithmetic3A_963 = arith.shrsi %squeeze3A_961, %shift_right_arithmetic3A_962 : i32
        %shift_left3A_964 = arith.constant 7 : i32
        %shift_left3A_965 = arith.shli %shift_right_arithmetic3A_963, %shift_left3A_964 : i32
        %multiple_of3A_966 = tpu.assume_multiple %shift_left3A_965, 128 : i32
        %dma_start3A_967 = arith.constant 0 : i32
        %dma_start3A_968 = arith.constant 768 : i32
        %dma_start3A_969 = tpu.memref_slice %arg7[%dma_start3A_967, %dma_start3A_968] : memref<32x1024xf32, #tpu.memory_space<vmem>> -> memref<16x128xf32, #tpu.memory_space<vmem>>
        %dma_start3A_970 = arith.constant 0 : i32
        %dma_start3A_971 = tpu.memref_slice %arg3[%dma_start3A_970, %multiple_of3A_966] : memref<32x1000000xf32, #tpu.memory_space<hbm>> -> memref<16x128xf32, #tpu.memory_space<hbm>>
        %dma_start3A_972 = arith.constant 0 : i32
        %dma_start3A_973 = arith.constant 768 : i32
        %dma_start3A_974 = tpu.memref_slice %arg7[%dma_start3A_972, %dma_start3A_973] : memref<32x1024xf32, #tpu.memory_space<vmem>> -> memref<16x128xf32, #tpu.memory_space<vmem>>
        %dma_start3A_975 = arith.constant 0 : i32
        %dma_start3A_976 = tpu.memref_slice %arg3[%dma_start3A_975, %multiple_of3A_966] : memref<32x1000000xf32, #tpu.memory_space<hbm>> -> memref<16x128xf32, #tpu.memory_space<hbm>>
        tpu.enqueue_dma source(%dma_start3A_976 : memref<16x128xf32, #tpu.memory_space<hbm>>) target(%dma_start3A_974 : memref<16x128xf32, #tpu.memory_space<vmem>>) target_semaphore(%arg10 : memref<!tpu.dma_semaphore, #tpu.memory_space<semaphore_mem>>)
        %dma_start3A_977 = arith.constant 16 : i32
        %dma_start3A_978 = arith.constant 768 : i32
        %dma_start3A_979 = tpu.memref_slice %arg7[%dma_start3A_977, %dma_start3A_978] : memref<32x1024xf32, #tpu.memory_space<vmem>> -> memref<16x128xf32, #tpu.memory_space<vmem>>
        %dma_start3A_980 = arith.constant 16 : i32
        %dma_start3A_981 = tpu.memref_slice %arg3[%dma_start3A_980, %multiple_of3A_966] : memref<32x1000000xf32, #tpu.memory_space<hbm>> -> memref<16x128xf32, #tpu.memory_space<hbm>>
        %dma_start3A_982 = arith.constant 16 : i32
        %dma_start3A_983 = arith.constant 768 : i32
        %dma_start3A_984 = tpu.memref_slice %arg7[%dma_start3A_982, %dma_start3A_983] : memref<32x1024xf32, #tpu.memory_space<vmem>> -> memref<16x128xf32, #tpu.memory_space<vmem>>
        %dma_start3A_985 = arith.constant 16 : i32
        %dma_start3A_986 = tpu.memref_slice %arg3[%dma_start3A_985, %multiple_of3A_966] : memref<32x1000000xf32, #tpu.memory_space<hbm>> -> memref<16x128xf32, #tpu.memory_space<hbm>>
        tpu.enqueue_dma source(%dma_start3A_986 : memref<16x128xf32, #tpu.memory_space<hbm>>) target(%dma_start3A_984 : memref<16x128xf32, #tpu.memory_space<vmem>>) target_semaphore(%arg10 : memref<!tpu.dma_semaphore, #tpu.memory_space<semaphore_mem>>)
        %slice3A_987 = vector.extract_strided_slice %get3A_450 {offsets = [15], sizes = [1], strides = [1]} : vector<16xi32> to vector<1xi32>
        %squeeze3A_988 = vector.extract %slice3A_987[0] : i32 from vector<1xi32>
        %shift_right_arithmetic3A_989 = arith.constant 7 : i32
        %shift_right_arithmetic3A_990 = arith.shrsi %squeeze3A_988, %shift_right_arithmetic3A_989 : i32
        %shift_left3A_991 = arith.constant 7 : i32
        %shift_left3A_992 = arith.shli %shift_right_arithmetic3A_990, %shift_left3A_991 : i32
        %multiple_of3A_993 = tpu.assume_multiple %shift_left3A_992, 128 : i32
        %dma_start3A_994 = arith.constant 0 : i32
        %dma_start3A_995 = arith.constant 896 : i32
        %dma_start3A_996 = tpu.memref_slice %arg7[%dma_start3A_994, %dma_start3A_995] : memref<32x1024xf32, #tpu.memory_space<vmem>> -> memref<16x128xf32, #tpu.memory_space<vmem>>
        %dma_start3A_997 = arith.constant 0 : i32
        %dma_start3A_998 = tpu.memref_slice %arg3[%dma_start3A_997, %multiple_of3A_993] : memref<32x1000000xf32, #tpu.memory_space<hbm>> -> memref<16x128xf32, #tpu.memory_space<hbm>>
        %dma_start3A_999 = arith.constant 0 : i32
        %dma_start3A_1000 = arith.constant 896 : i32
        %dma_start3A_1001 = tpu.memref_slice %arg7[%dma_start3A_999, %dma_start3A_1000] : memref<32x1024xf32, #tpu.memory_space<vmem>> -> memref<16x128xf32, #tpu.memory_space<vmem>>
        %dma_start3A_1002 = arith.constant 0 : i32
        %dma_start3A_1003 = tpu.memref_slice %arg3[%dma_start3A_1002, %multiple_of3A_993] : memref<32x1000000xf32, #tpu.memory_space<hbm>> -> memref<16x128xf32, #tpu.memory_space<hbm>>
        tpu.enqueue_dma source(%dma_start3A_1003 : memref<16x128xf32, #tpu.memory_space<hbm>>) target(%dma_start3A_1001 : memref<16x128xf32, #tpu.memory_space<vmem>>) target_semaphore(%arg10 : memref<!tpu.dma_semaphore, #tpu.memory_space<semaphore_mem>>)
        %dma_start3A_1004 = arith.constant 16 : i32
        %dma_start3A_1005 = arith.constant 896 : i32
        %dma_start3A_1006 = tpu.memref_slice %arg7[%dma_start3A_1004, %dma_start3A_1005] : memref<32x1024xf32, #tpu.memory_space<vmem>> -> memref<16x128xf32, #tpu.memory_space<vmem>>
        %dma_start3A_1007 = arith.constant 16 : i32
        %dma_start3A_1008 = tpu.memref_slice %arg3[%dma_start3A_1007, %multiple_of3A_993] : memref<32x1000000xf32, #tpu.memory_space<hbm>> -> memref<16x128xf32, #tpu.memory_space<hbm>>
        %dma_start3A_1009 = arith.constant 16 : i32
        %dma_start3A_1010 = arith.constant 896 : i32
        %dma_start3A_1011 = tpu.memref_slice %arg7[%dma_start3A_1009, %dma_start3A_1010] : memref<32x1024xf32, #tpu.memory_space<vmem>> -> memref<16x128xf32, #tpu.memory_space<vmem>>
        %dma_start3A_1012 = arith.constant 16 : i32
        %dma_start3A_1013 = tpu.memref_slice %arg3[%dma_start3A_1012, %multiple_of3A_993] : memref<32x1000000xf32, #tpu.memory_space<hbm>> -> memref<16x128xf32, #tpu.memory_space<hbm>>
        tpu.enqueue_dma source(%dma_start3A_1013 : memref<16x128xf32, #tpu.memory_space<hbm>>) target(%dma_start3A_1011 : memref<16x128xf32, #tpu.memory_space<vmem>>) target_semaphore(%arg10 : memref<!tpu.dma_semaphore, #tpu.memory_space<semaphore_mem>>)
      } else {
      }
    }
    %scan3A_434 = arith.constant 32 : i32
    "tpu.region"() ({
      %run_scoped3A = tpu.sem_alloc : memref<!tpu.dma_semaphore, #tpu.memory_space<semaphore_mem>>
      %dma_start3A_435 = arith.constant 0 : i32
      %dma_start3A_436 = tpu.memref_slice %arg4[%dma_start3A_435, %mul3A_2] : memref<32x16384xf32, #tpu.memory_space<hbm>> -> memref<32x512xf32, #tpu.memory_space<hbm>>
      %dma_start3A_437 = arith.constant 0 : i32
      %dma_start3A_438 = tpu.memref_slice %arg4[%dma_start3A_437, %mul3A_2] : memref<32x16384xf32, #tpu.memory_space<hbm>> -> memref<32x512xf32, #tpu.memory_space<hbm>>
      tpu.enqueue_dma source(%arg8 : memref<32x512xf32, #tpu.memory_space<vmem>>) target(%dma_start3A_438 : memref<32x512xf32, #tpu.memory_space<hbm>>) target_semaphore(%run_scoped3A : memref<!tpu.dma_semaphore, #tpu.memory_space<semaphore_mem>>)
      %dma_wait3A = arith.constant 0 : i32
      %dma_wait3A_439 = tpu.memref_slice %arg4[%dma_wait3A, %mul3A_2] : memref<32x16384xf32, #tpu.memory_space<hbm>> -> memref<32x512xf32, #tpu.memory_space<hbm>>
      %dma_wait3A_440 = arith.constant 0 : i32
      %dma_wait3A_441 = tpu.memref_slice %arg4[%dma_wait3A_440, %mul3A_2] : memref<32x16384xf32, #tpu.memory_space<hbm>> -> memref<32x512xf32, #tpu.memory_space<hbm>>
      tpu.wait_dma2 semaphore(%run_scoped3A : memref<!tpu.dma_semaphore, #tpu.memory_space<semaphore_mem>>) src(%arg8 : memref<32x512xf32, #tpu.memory_space<vmem>>) dst(%dma_wait3A_441 : memref<32x512xf32, #tpu.memory_space<hbm>>)
      tpu.yield
    }) : () -> ()
    return
  }
}

</mosaic_0001>

<sc_bundles>
// kernel: kernel.3.cloned.1.call-start
scs
__scs_entry_jumppad:
0x0: {  	(pc) =	sbr.rel $0x88, $3  }
0x1: {  	(tag) =	ssettag $0x0;
	lr =	simm.s32 $0x1  }
0x2: {  	[smem:$0x3F9F] =	sst lr;
	_ =	strace $0xD0000000  }
0x3: {  	_ = 	snop  }
0x4: {  	_ = 	snop  }
0x5: {  	_ = 	snop  }
0x6: {  	_ = 	snop  }
0x7: {  	_ = 	snop  }
__scs_overlays_trampoline_lowered:
0x8: {  	[smem:$0x3FAE] =	sst s0  }
0x9: {  	[smem:$0x3FAF] =	sst s1  }
0xa: {  	[smem:$0x3FB0] =	sst s2  }
0xb: {  	[smem:$0x3FB1] =	sst s3  }
0xc: {  	[smem:$0x3FB2] =	sst s4  }
0xd: {  	[smem:$0x3FB3] =	sst s5  }
0xe: {  	[smem:$0x3FB4] =	sst s6  }
0xf: {  	[smem:$0x3FB5] =	sst s7  }
0x10: {  	[smem:$0x3FB6] =	sst s8  }
0x11: {  	[smem:$0x3FB7] =	sst s9;
	s0 =	simm.s32 @!p0 $0x0  }
0x12: {  	s1 =	sld [smem:$0x3F9D];
	s0 =	simm.s32 @p0 $0x1  }
0x13: {  	[smem:$0x3FB8] =	sst s0;
	s0 =	simm.s32 @!p1 $0x0  }
0x14: {  	s2 =	sld [smem:$0x3F9C];
	s0 =	simm.s32 @p1 $0x1  }
0x15: {  	[smem:$0x3FB9] =	sst s0;
	s0 =	simm.s32 @!p2 $0x0  }
0x16: {  	s3 =	sld [smem:$0x3FDB];
	s0 =	simm.s32 @p2 $0x1  }
0x17: {  	s4 =	simm.s32 $0x1BF5;
	[smem:$0x3FBB] =	sst s0  }
0x18: {  	s0 =	sld [smem:$0x3F9E];
	_ =	swait.ge [sflag:s4], $0x0  }
0x19: {  	s7 =	sld [smem:$0x3F9F]  }
0x1a: {  	s8 =	sadd.s32 $0xFFFFE003, lr  }
0x1b: {  	s9 =	sadd.s32 $0xFFFFFEF7, lr;
	s5 =	simm.s32 $0xFFFFFFFF;
	p2 =	slt.u32 s8, $0xFFFFF086  }
0x1c: {  	p1 =	slt.u32 s9, $0xF7A;
	s5 =	simm.s32 @!p2 $0x0  }
0x1d: {  	s5 =	simm.s32 @p1 $0x1;
	p0 =	seq.s32 s7, s2  }
0x1e: {  	s7 =	smul.u32 @!p0 $0xF7A, s2;
	p2 =	seq.s32 @!p0 s5, $0x0  }
0x1f: {  	s9 =	smul.u32 $0xF7A, s1;
	s8 =	simm.s32 @!p0 $0x1BF5;
	p2 =	por !p2, p0  }
0x20: {  	[sflag:s8] =	ssyncset.s32 @!p0 $0xFFFFF086;
	s6 =	sadd.s32 @!p0 s3, s7;
	s7 =	simm.s32 @!p0 $0x108  }
0x21: {  	s3 =	sadd.s32 s3, s9;
	s6 =	sadd.s32 @!p0 $0x88, s6;
	s7 =	simm.s32 @p2 $0x1082  }
0x22: {  	[simem:s7], [sflag:s8] =	dma.local @!p0 [hbm:s6], $0xF7A  }
0x23: {  	s9 =	sor.u32 $0xD0000000, s2;
	s6 =	simm.s32 $0x108;
	_ =	swait.ge @!p0 [sflag:s8], $0x0  }
0x24: {  	s3 =	sadd.s32 $0x88, s3;
	s6 =	simm.s32 @!p1 $0x1082;
	[sflag:s4] =	ssyncset.s32 $0xFFFFF086  }
0x25: {  	[simem:s6], [sflag:s4] =	dma.local [hbm:s3], $0xF7A  }
0x26: {  	[smem:$0x3F9F] =	sst s1;
	(tag) =	ssettag s2;
	_ =	strace s9  }
0x27: {  	s1 =	sld [smem:$0x3FAF]  }
0x28: {  	s2 =	sld [smem:$0x3FB0]  }
0x29: {  	s4 =	sld [smem:$0x3FB2]  }
0x2a: {  	p0 =	seq.s32 s5, $0x0;
	s5 =	sld [smem:$0x3FB3]  }
0x2b: {  	s6 =	sld [smem:$0x3FB4]  }
0x2c: {  	s7 =	sld [smem:$0x3FB5]  }
0x2d: {  	s3 =	simm.s32 $0x108;
	s8 =	sld [smem:$0x3FB6]  }
0x2e: {  	s3 =	simm.s32 @!p0 $0x1082;
	s9 =	sld [smem:$0x3FB7]  }
0x2f: {  	lr =	sadd.s32 s0, s3;
	s0 =	sld [smem:$0x3FAE]  }
0x30: {  	s3 =	sld [smem:$0x3FB1]  }
0x31: {  	[smem:$0x3FBA] =	sst s10  }
0x32: {  	s10 =	sld [smem:$0x3FB8];
	_ =	sdelay $0x3  }
0x33: {  	p0 =	seq.s32 s10, $0x1;
	s10 =	sld [smem:$0x3FBA];
	_ =	sdelay $0x3  }
0x34: {  	[smem:$0x3FBA] =	sst s10  }
0x35: {  	s10 =	sld [smem:$0x3FB9];
	_ =	sdelay $0x3  }
0x36: {  	p1 =	seq.s32 s10, $0x1;
	s10 =	sld [smem:$0x3FBA];
	_ =	sdelay $0x3  }
0x37: {  	[smem:$0x3FBA] =	sst s10  }
0x38: {  	s10 =	sld [smem:$0x3FBB]  }
0x39: {  	_ = 	snop;
	(pc) =	sbr.ind lr, $3  }
0x3a: {  	_ = 	snop  }
0x3b: {  	_ = 	snop  }
0x3c: {  	p2 =	seq.s32 s10, $0x1;
	s10 =	sld [smem:$0x3FBA]  }
0x3d: {  	_ =	shalt  }
0x3e: {  	_ =	shalt  }
0x3f: {  	_ =	shalt  }
0x40: {  	_ =	shalt  }
0x41: {  	_ =	shalt  }
0x42: {  	_ =	shalt  }
0x43: {  	_ =	shalt  }
0x44: {  	_ =	shalt  }
0x45: {  	_ =	shalt  }
0x46: {  	_ =	shalt  }
0x47: {  	_ =	shalt  }
0x48: {  	_ =	shalt  }
0x49: {  	_ =	shalt  }
0x4a: {  	_ =	shalt  }
0x4b: {  	_ =	shalt  }
0x4c: {  	_ =	shalt  }
0x4d: {  	_ =	shalt  }
0x4e: {  	_ =	shalt  }
0x4f: {  	_ =	shalt  }
0x50: {  	_ =	shalt  }
0x51: {  	_ =	shalt  }
0x52: {  	_ =	shalt  }
0x53: {  	_ =	shalt  }
0x54: {  	_ =	shalt  }
0x55: {  	_ =	shalt  }
0x56: {  	_ =	shalt  }
0x57: {  	_ =	shalt  }
0x58: {  	_ =	shalt  }
0x59: {  	_ =	shalt  }
0x5a: {  	_ =	shalt  }
0x5b: {  	_ =	shalt  }
0x5c: {  	_ =	shalt  }
0x5d: {  	_ =	shalt  }
0x5e: {  	_ =	shalt  }
0x5f: {  	_ =	shalt  }
0x60: {  	_ =	shalt  }
0x61: {  	_ =	shalt  }
0x62: {  	_ =	shalt  }
0x63: {  	_ =	shalt  }
0x64: {  	_ =	shalt  }
0x65: {  	_ =	shalt  }
0x66: {  	_ =	shalt  }
0x67: {  	_ =	shalt  }
0x68: {  	_ =	shalt  }
0x69: {  	_ =	shalt  }
0x6a: {  	_ =	shalt  }
0x6b: {  	_ =	shalt  }
0x6c: {  	_ =	shalt  }
0x6d: {  	_ =	shalt  }
0x6e: {  	_ =	shalt  }
0x6f: {  	_ =	shalt  }
0x70: {  	_ =	shalt  }
0x71: {  	_ =	shalt  }
0x72: {  	_ =	shalt  }
0x73: {  	_ =	shalt  }
0x74: {  	_ =	shalt  }
0x75: {  	_ =	shalt  }
0x76: {  	_ =	shalt  }
0x77: {  	_ =	shalt  }
0x78: {  	_ =	shalt  }
0x79: {  	_ =	shalt  }
0x7a: {  	_ =	shalt  }
0x7b: {  	_ =	shalt  }
0x7c: {  	_ =	shalt  }
0x7d: {  	_ =	shalt  }
0x7e: {  	_ =	shalt  }
0x7f: {  	_ =	shalt  }
0x80: {  	_ =	shalt  }
0x81: {  	_ =	shalt  }
0x82: {  	_ =	shalt  }
0x83: {  	_ =	shalt  }
0x84: {  	_ =	shalt  }
0x85: {  	_ =	shalt  }
0x86: {  	_ =	shalt  }
0x87: {  	_ =	shalt  }
.Lfunc_end0:
.L_simem_size_0:
called_computation_lowered:
.L_overlay_start_0:
0x88: {  	s2 =	sld [smem:$0x3FD9]  }
0x89: {  	s3 =	sld [smem:$0x3FFE];
	_ =	sdelay $0x1  }
0x8a: {  	s1 =	srdreg.scid  }
0x8b: {  	s0 =	sand.u32 $0x1, s1  }
0x8c: {  	s18 =	sshll.u32 s0, $0xA;
	s2 =	sadd.s32 s3, s2  }
0x8d: {  	s2 =	sadd.s32 s2, s18  }
0x8e: {  	[smem:$0x3FC6] =	sst s2  }
0x8f: {  	_ = 	snop  }
0x90: {  	s2 =	sld [smem:$0x3FC9]  }
0x91: {  	s19 =	sld [smem:$0x3FC8]  }
0x92: {  	s4 =	sld [smem:$0x3FD0];
	(tm) =	ssettm $0x1  }
0x93: {  	s5 =	sld [smem:$0x3FFB];
	_ =	sdelay $0x3  }
0x94: {  	_ =	strace s5  }
0x95: {  	s5 =	sld [smem:$0x3FFC];
	_ =	sdelay $0x3  }
0x96: {  	_ =	strace s5  }
0x97: {  	s5 =	sld [smem:$0x3FFD];
	_ =	sdelay $0x3  }
0x98: {  	_ =	strace s5  }
0x99: {  	_ =	strace $0x8FFFFFFF  }
0x9a: {  	s20 =	sld [smem:$0x3FDB];
	_ =	sdelay $0x1  }
0x9b: {  	s6 =	simm.s32 $_scs_section_size  }
0x9c: {  	s7 =	simm.s32 $_size__tile_overlayer_lowered;
	s8 =	simm.s32 $_tile_overlayer_lowered  }
0x9d: {  	s23 =	simm.s32 $0x1BFF;
	s22 =	sshll.u32 s8, $0x1;
	s5 =	sadd.s32 s6, s20  }
0x9e: {  	s9 =	simm.s32 $0x0;
	s21 =	sshll.u32 s7, $0x1;
	s7 =	sadd.s32 s22, s5  }
0x9f: {  	[timem:s9], [sflag:s23] =	dma.local [hbm:s7], s21  }
0xa0: {  	_ =	swait.ge [sflag:s23], s21  }
0xa1: {  	s6 =	ssub.s32 $0x0, s21;
	[sflag:s23] =	ssyncset.done $0x0  }
0xa2: {  	[sflag:s23] =	ssyncadd.s32 s6;
	_ =	sdelay $0x1  }
0xa3: {  	s24 =	simm.s32 $0x1B8B  }
0xa4: {  	_ =	swait.ge [sflag:s24], $0x1  }
0xa5: {  	[sflag:s24] =	ssyncset.done $0x0  }
0xa6: {  	s25 =	simm.s32 $0x1B8E;
	[sflag:s24] =	ssyncadd.s32 $0xFFFFFFFF  }
0xa7: {  	s26 =	simm.s32 $execute0_lowered;
	[smem:$0x3FD2] =	sst s25  }
0xa8: {  	s6 =	sshll.u32 s26, $0x1;
	_ =	strace $0x80000046;
	[dreg:$0x1] =	wrdreg $0xFFFFFFFF  }
0xa9: {  	s28 =	simm.s32 $_size_execute0_lowered;
	s5 =	sadd.s32 s5, s6;
	[dreg:$0x0] =	wrdreg $0x0  }
0xaa: {  	s6 =	sshll.u32 s28, $0x1;
	[dreg:$0x2] =	wrdreg s5  }
0xab: {  	[dreg:$0x3] =	wrdreg s6  }
0xac: {  	[dreg:$0x4] =	wrdreg $0xC0  }
0xad: {  	_ =	task [dreg:s9], $0x5FFFF  }
0xae: {  	[dreg:$0x1] =	wrdreg $0xFFFFFFFF  }
0xaf: {  	[dreg:$0x0] =	wrdreg $0x60  }
0xb0: {  	[dreg:$0x2] =	wrdreg s2  }
0xb1: {  	[dreg:$0x3] =	wrdreg s19  }
0xb2: {  	[dreg:$0x4] =	wrdreg s4  }
0xb3: {  	[dreg:$0x5] =	wrdreg $0x9  }
0xb4: {  	_ =	task.clear_ibuf [dreg:s9], $0x6FFFF;
	_ =	strace $0x90000046  }
0xb5: {  	s29 =	simm.s32 $0x9;
	_ =	strace $0x80000048  }
0xb6: {  	_ =	swait.ge [sflag:s29], $0x1  }
0xb7: {  	[sflag:s29] =	ssyncadd.s32 $0xFFFFFFFF  }
0xb8: {  	_ =	strace $0x90000048  }
0xb9: {  	_ =	sfence  }
0xba: {  	s30 =	sld [smem:$0x0];
	_ =	sdelay $0x2  }
0xbb: {  	s31 =	sshll.u32 s1, $0xD;
	s1 =	sshrl.u32 s1, $0x2  }
0xbc: {  	s3 =	sand.u32 $0x4000, s31;
	s1 =	sadd.s32 s1, s30  }
0xbd: {  	s0 =	sor.u32 s3, s0;
	s1 =	sshll.u32 s1, $0x11  }
0xbe: {  	s0 =	sor.u32 s1, s0  }
0xbf: {  	s0 =	sadd.s32 $0x8F2B, s0  }
0xc0: {  	[sflag:s0] =	ssyncadd.remote.s32 $0x1  }
0xc1: {  	_ =	sfence.sel $0xFFFF  }
0xc2: {  	[dreg:$0x0] =	wrdreg $0xFFFFFFFF;
	(pc) =	sbr.abs _section_cstart, $3  }
0xc3: {  	[dreg:$0x1] =	wrdreg $0xFFFFFFFF  }
0xc4: {  	_ =	task.clear_ibuf [dreg:s9], $0x2FFFF;
	_ =	strace $0x9FFFFFFF  }
0xc5: {  	(tm) =	ssettm $0x7FFFFFFF  }
tec
execute0_lowered:
.L_overlay_start_1:
0x0: {  	(tag) =	ssettag $0x1  }
0x1: {  	vm14 =	vcmask $0x300;
	v0 =	vimm.s32 $0x2380  }
0x2: {  	vm13 =	vcmask $0x704;
	vm12 =	vcmask $0xB08;
	vm11 =	vcmask $0xF0C  }
0x3: {  	vm10 =	vcmask $0x1310;
	vm9 =	vcmask $0x1714;
	vm8 =	vcmask $0x1B18  }
0x4: {  	vm7 =	vcmask $0x1F1C;
	v1 =	vimm.s32 $0x1380;
	v2 =	vimm.s32 $0x6380  }
0x5: {  	vm0 =	vcmask $0x2320;
	vm1 =	vcmask $0x2724;
	vm2 =	vcmask $0x2B28  }
0x6: {  	vm3 =	vcmask $0x2F2C;
	vm4 =	vcmask $0x3330;
	vm5 =	vcmask $0x3734  }
0x7: {  	vm6 =	vcmask $0x3B38;
	v9 =	vimm.s32 $0x3380;
	v3 =	vimm.s32 $0x2780  }
0x8: {  	v5 =	vimm.s32 $0x6780;
	v7 =	vimm.s32 $0x6B80;
	v8 =	vimm.s32 $0x2F80  }
0x9: {  	v10 =	vimm.s32 $0x6F80;
	v11 =	vimm.s32 $0x7380;
	v13 =	vimm.s32 $0x7780  }
0xa: {  	v14 =	vimm.s32 $0x3B80;
	v15 =	vimm.s32 $0x7B80;
	v16 =	vimm.s32 $0x3F80  }
0xb: {  	v17 =	vimm.s32 $0x7F80;
	v0 =	vsel vm14, $0x0, v0;
	v1 =	vsel vm14, $0x0, v1  }
0xc: {  	v2 =	vsel vm14, $0x4000, v2;
	v4 =	vsel vm14, $0x2000, v9;
	v3 =	vsel vm14, $0x400, v3  }
0xd: {  	v5 =	vsel vm14, $0x4400, v5;
	v7 =	vsel vm14, $0x4800, v7;
	v8 =	vsel vm14, $0xC00, v8  }
0xe: {  	v10 =	vsel vm14, $0x4C00, v10;
	v9 =	vsel vm14, $0x1000, v9;
	v11 =	vsel vm14, $0x5000, v11  }
0xf: {  	v13 =	vsel vm14, $0x5400, v13;
	v14 =	vsel vm14, $0x1800, v14;
	v15 =	vsel vm14, $0x5800, v15  }
0x10: {  	v16 =	vsel vm14, $0x1C00, v16;
	v17 =	vsel vm14, $0x5C00, v17;
	v0 =	vsel vm13, $0x80, v0  }
0x11: {  	v1 =	vsel vm13, $0x80, v1;
	v2 =	vsel vm13, $0x4080, v2;
	v4 =	vsel vm13, $0x2080, v4  }
0x12: {  	v3 =	vsel vm13, $0x480, v3;
	v5 =	vsel vm13, $0x4480, v5;
	v7 =	vsel vm13, $0x4880, v7  }
0x13: {  	v8 =	vsel vm13, $0xC80, v8;
	v10 =	vsel vm13, $0x4C80, v10;
	v9 =	vsel vm13, $0x1080, v9  }
0x14: {  	v11 =	vsel vm13, $0x5080, v11;
	v13 =	vsel vm13, $0x5480, v13;
	v14 =	vsel vm13, $0x1880, v14  }
0x15: {  	v15 =	vsel vm13, $0x5880, v15;
	v16 =	vsel vm13, $0x1C80, v16;
	v17 =	vsel vm13, $0x5C80, v17  }
0x16: {  	v0 =	vsel vm12, $0x100, v0;
	v1 =	vsel vm12, $0x100, v1;
	v2 =	vsel vm12, $0x4100, v2  }
0x17: {  	v4 =	vsel vm12, $0x2100, v4;
	v3 =	vsel vm12, $0x500, v3;
	v5 =	vsel vm12, $0x4500, v5  }
0x18: {  	v7 =	vsel vm12, $0x4900, v7;
	v8 =	vsel vm12, $0xD00, v8;
	v10 =	vsel vm12, $0x4D00, v10  }
0x19: {  	v9 =	vsel vm12, $0x1100, v9;
	v11 =	vsel vm12, $0x5100, v11;
	v13 =	vsel vm12, $0x5500, v13  }
0x1a: {  	v14 =	vsel vm12, $0x1900, v14;
	v15 =	vsel vm12, $0x5900, v15;
	v16 =	vsel vm12, $0x1D00, v16  }
0x1b: {  	v17 =	vsel vm12, $0x5D00, v17;
	v0 =	vsel vm11, $0x180, v0;
	v1 =	vsel vm11, $0x180, v1  }
0x1c: {  	v2 =	vsel vm11, $0x4180, v2;
	v4 =	vsel vm11, $0x2180, v4;
	v3 =	vsel vm11, $0x580, v3  }
0x1d: {  	v5 =	vsel vm11, $0x4580, v5;
	v7 =	vsel vm11, $0x4980, v7;
	v8 =	vsel vm11, $0xD80, v8  }
0x1e: {  	v10 =	vsel vm11, $0x4D80, v10;
	v9 =	vsel vm11, $0x1180, v9;
	v11 =	vsel vm11, $0x5180, v11  }
0x1f: {  	v13 =	vsel vm11, $0x5580, v13;
	v14 =	vsel vm11, $0x1980, v14;
	v15 =	vsel vm11, $0x5980, v15  }
0x20: {  	v16 =	vsel vm11, $0x1D80, v16;
	v17 =	vsel vm11, $0x5D80, v17;
	v0 =	vsel vm10, $0x200, v0  }
0x21: {  	v1 =	vsel vm10, $0x200, v1;
	v2 =	vsel vm10, $0x4200, v2;
	v4 =	vsel vm10, $0x2200, v4  }
0x22: {  	v3 =	vsel vm10, $0x600, v3;
	v5 =	vsel vm10, $0x4600, v5;
	v7 =	vsel vm10, $0x4A00, v7  }
0x23: {  	v8 =	vsel vm10, $0xE00, v8;
	v10 =	vsel vm10, $0x4E00, v10;
	v9 =	vsel vm10, $0x1200, v9  }
0x24: {  	v11 =	vsel vm10, $0x5200, v11;
	v13 =	vsel vm10, $0x5600, v13;
	v14 =	vsel vm10, $0x1A00, v14  }
0x25: {  	v15 =	vsel vm10, $0x5A00, v15;
	v16 =	vsel vm10, $0x1E00, v16;
	v17 =	vsel vm10, $0x5E00, v17  }
0x26: {  	v0 =	vsel vm9, $0x280, v0;
	v1 =	vsel vm9, $0x280, v1;
	v2 =	vsel vm9, $0x4280, v2  }
0x27: {  	v4 =	vsel vm9, $0x2280, v4;
	v3 =	vsel vm9, $0x680, v3;
	v5 =	vsel vm9, $0x4680, v5  }
0x28: {  	v7 =	vsel vm9, $0x4A80, v7;
	v8 =	vsel vm9, $0xE80, v8;
	v10 =	vsel vm9, $0x4E80, v10  }
0x29: {  	v9 =	vsel vm9, $0x1280, v9;
	v11 =	vsel vm9, $0x5280, v11;
	v13 =	vsel vm9, $0x5680, v13  }
0x2a: {  	v14 =	vsel vm9, $0x1A80, v14;
	v15 =	vsel vm9, $0x5A80, v15;
	v16 =	vsel vm9, $0x1E80, v16  }
0x2b: {  	v17 =	vsel vm9, $0x5E80, v17;
	v0 =	vsel vm8, $0x300, v0;
	v1 =	vsel vm8, $0x300, v1  }
0x2c: {  	v2 =	vsel vm8, $0x4300, v2;
	v4 =	vsel vm8, $0x2300, v4;
	v3 =	vsel vm8, $0x700, v3  }
0x2d: {  	v5 =	vsel vm8, $0x4700, v5;
	v7 =	vsel vm8, $0x4B00, v7;
	v8 =	vsel vm8, $0xF00, v8  }
0x2e: {  	v10 =	vsel vm8, $0x4F00, v10;
	v9 =	vsel vm8, $0x1300, v9;
	v11 =	vsel vm8, $0x5300, v11  }
0x2f: {  	v13 =	vsel vm8, $0x5700, v13;
	v14 =	vsel vm8, $0x1B00, v14;
	v15 =	vsel vm8, $0x5B00, v15  }
0x30: {  	v16 =	vsel vm8, $0x1F00, v16;
	v17 =	vsel vm8, $0x5F00, v17;
	v0 =	vsel vm7, $0x380, v0  }
0x31: {  	v1 =	vsel vm7, $0x380, v1;
	v2 =	vsel vm7, $0x4380, v2;
	v4 =	vsel vm7, $0x2380, v4  }
0x32: {  	v3 =	vsel vm7, $0x780, v3;
	v5 =	vsel vm7, $0x4780, v5;
	v7 =	vsel vm7, $0x4B80, v7  }
0x33: {  	v8 =	vsel vm7, $0xF80, v8;
	v10 =	vsel vm7, $0x4F80, v10;
	v9 =	vsel vm7, $0x1380, v9  }
0x34: {  	v11 =	vsel vm7, $0x5380, v11;
	v13 =	vsel vm7, $0x5780, v13;
	v14 =	vsel vm7, $0x1B80, v14  }
0x35: {  	v15 =	vsel vm7, $0x5B80, v15;
	v16 =	vsel vm7, $0x1F80, v16;
	v17 =	vsel vm7, $0x5F80, v17  }
0x36: {  	v0 =	vsel vm0, $0x2000, v0;
	v1 =	vsel vm0, $0x1000, v1;
	v2 =	vsel vm0, $0x6000, v2  }
0x37: {  	v4 =	vsel vm0, $0x3000, v4;
	v3 =	vsel vm0, $0x2400, v3;
	v5 =	vsel vm0, $0x6400, v5  }
0x38: {  	v7 =	vsel vm0, $0x6800, v7;
	v8 =	vsel vm0, $0x2C00, v8;
	v10 =	vsel vm0, $0x6C00, v10  }
0x39: {  	v9 =	vsel vm0, $0x3000, v9;
	v11 =	vsel vm0, $0x7000, v11;
	v13 =	vsel vm0, $0x7400, v13  }
0x3a: {  	v14 =	vsel vm0, $0x3800, v14;
	v15 =	vsel vm0, $0x7800, v15;
	v16 =	vsel vm0, $0x3C00, v16  }
0x3b: {  	v17 =	vsel vm0, $0x7C00, v17;
	v0 =	vsel vm1, $0x2080, v0;
	v1 =	vsel vm1, $0x1080, v1  }
0x3c: {  	v2 =	vsel vm1, $0x6080, v2;
	v4 =	vsel vm1, $0x3080, v4;
	v3 =	vsel vm1, $0x2480, v3  }
0x3d: {  	v5 =	vsel vm1, $0x6480, v5;
	v7 =	vsel vm1, $0x6880, v7;
	v8 =	vsel vm1, $0x2C80, v8  }
0x3e: {  	v10 =	vsel vm1, $0x6C80, v10;
	v9 =	vsel vm1, $0x3080, v9;
	v11 =	vsel vm1, $0x7080, v11  }
0x3f: {  	v13 =	vsel vm1, $0x7480, v13;
	v14 =	vsel vm1, $0x3880, v14;
	v15 =	vsel vm1, $0x7880, v15  }
0x40: {  	v16 =	vsel vm1, $0x3C80, v16;
	v17 =	vsel vm1, $0x7C80, v17;
	v0 =	vsel vm2, $0x2100, v0  }
0x41: {  	v1 =	vsel vm2, $0x1100, v1;
	v2 =	vsel vm2, $0x6100, v2;
	v4 =	vsel vm2, $0x3100, v4  }
0x42: {  	v3 =	vsel vm2, $0x2500, v3;
	v5 =	vsel vm2, $0x6500, v5;
	v7 =	vsel vm2, $0x6900, v7  }
0x43: {  	v8 =	vsel vm2, $0x2D00, v8;
	v10 =	vsel vm2, $0x6D00, v10;
	v9 =	vsel vm2, $0x3100, v9  }
0x44: {  	v11 =	vsel vm2, $0x7100, v11;
	v13 =	vsel vm2, $0x7500, v13;
	v14 =	vsel vm2, $0x3900, v14  }
0x45: {  	v15 =	vsel vm2, $0x7900, v15;
	v16 =	vsel vm2, $0x3D00, v16;
	v17 =	vsel vm2, $0x7D00, v17  }
0x46: {  	v0 =	vsel vm3, $0x2180, v0;
	v1 =	vsel vm3, $0x1180, v1;
	v2 =	vsel vm3, $0x6180, v2  }
0x47: {  	v4 =	vsel vm3, $0x3180, v4;
	v3 =	vsel vm3, $0x2580, v3;
	v5 =	vsel vm3, $0x6580, v5  }
0x48: {  	v7 =	vsel vm3, $0x6980, v7;
	v8 =	vsel vm3, $0x2D80, v8;
	v10 =	vsel vm3, $0x6D80, v10  }
0x49: {  	v9 =	vsel vm3, $0x3180, v9;
	v11 =	vsel vm3, $0x7180, v11;
	v13 =	vsel vm3, $0x7580, v13  }
0x4a: {  	v14 =	vsel vm3, $0x3980, v14;
	v15 =	vsel vm3, $0x7980, v15;
	v16 =	vsel vm3, $0x3D80, v16  }
0x4b: {  	v17 =	vsel vm3, $0x7D80, v17;
	v0 =	vsel vm4, $0x2200, v0;
	v1 =	vsel vm4, $0x1200, v1  }
0x4c: {  	v2 =	vsel vm4, $0x6200, v2;
	v4 =	vsel vm4, $0x3200, v4;
	v3 =	vsel vm4, $0x2600, v3  }
0x4d: {  	v5 =	vsel vm4, $0x6600, v5;
	v7 =	vsel vm4, $0x6A00, v7;
	v8 =	vsel vm4, $0x2E00, v8  }
0x4e: {  	v10 =	vsel vm4, $0x6E00, v10;
	v9 =	vsel vm4, $0x3200, v9;
	v11 =	vsel vm4, $0x7200, v11  }
0x4f: {  	v13 =	vsel vm4, $0x7600, v13;
	v14 =	vsel vm4, $0x3A00, v14;
	v15 =	vsel vm4, $0x7A00, v15  }
0x50: {  	v16 =	vsel vm4, $0x3E00, v16;
	v17 =	vsel vm4, $0x7E00, v17;
	v0 =	vsel vm5, $0x2280, v0  }
0x51: {  	v1 =	vsel vm5, $0x1280, v1;
	v2 =	vsel vm5, $0x6280, v2;
	v4 =	vsel vm5, $0x3280, v4  }
0x52: {  	v6 =	vsel vm5, $0x2680, v3;
	v5 =	vsel vm5, $0x6680, v5;
	v7 =	vsel vm5, $0x6A80, v7  }
0x53: {  	v8 =	vsel vm5, $0x2E80, v8;
	v10 =	vsel vm5, $0x6E80, v10;
	v12 =	vsel vm5, $0x3280, v9  }
0x54: {  	s1 =	rddreg [dreg:$0x0];
	v11 =	vsel vm5, $0x7280, v11;
	v13 =	vsel vm5, $0x7680, v13;
	v14 =	vsel vm5, $0x3A80, v14  }
0x55: {  	s0 =	rddreg [dreg:$0x1];
	v3 =	vsel vm6, $0x3300, v4;
	v4 =	vsel vm6, $0x2700, v6;
	v6 =	vimm.s32 $0x2B80  }
0x56: {  	s2 =	rddreg [dreg:$0x2];
	v9 =	vsel vm6, $0x6F00, v10;
	v10 =	vsel vm6, $0x3300, v12;
	v12 =	vimm.s32 $0x3780  }
0x57: {  	s3 =	srdreg.scid;
	s5 =	stileid.u32;
	s21 =	simm.s32 $0x3;
	v15 =	vsel vm5, $0x7A80, v15;
	v6 =	vsel vm14, $0x800, v6;
	v12 =	vsel vm14, $0x1400, v12  }
0x58: {  	s8 =	simm.s32 $0x200;
	s12 =	simm.s32 $0x8200;
	s28 =	simm.s32 $0xEE00;
	v16 =	vsel vm5, $0x3E80, v16;
	v6 =	vsel vm13, $0x880, v6;
	v12 =	vsel vm13, $0x1480, v12  }
0x59: {  	s29 =	simm.s32 $0x9200;
	s30 =	simm.s32 $0xB200;
	s31 =	simm.s32 $0xD200;
	v17 =	vsel vm5, $0x7E80, v17;
	v6 =	vsel vm12, $0x900, v6;
	v12 =	vsel vm12, $0x1500, v12  }
0x5a: {  	s9 =	simm.s32 $0xBA00;
	s10 =	simm.s32 $0xDA00;
	s11 =	simm.s32 $0xFA00;
	v0 =	vsel vm6, $0x2300, v0;
	v6 =	vsel vm11, $0x980, v6;
	v12 =	vsel vm11, $0x1580, v12  }
0x5b: {  	s13 =	simm.s32 $0x9E00;
	s14 =	simm.s32 $0xBE00;
	s15 =	simm.s32 $0xDE00;
	v1 =	vsel vm6, $0x1300, v1;
	v6 =	vsel vm10, $0xA00, v6;
	v12 =	vsel vm10, $0x1600, v12  }
0x5c: {  	s16 =	simm.s32 $0xFE00;
	s17 =	simm.s32 $0x1;
	s18 =	simm.s32 $0x10200;
	v2 =	vsel vm6, $0x6300, v2;
	v6 =	vsel vm9, $0xA80, v6;
	v12 =	vsel vm9, $0x1680, v12  }
0x5d: {  	s19 =	simm.s32 $0x2;
	s22 =	simm.s32 $0x0;
	s4 =	sand.u32 $0x1, s3;
	v5 =	vsel vm6, $0x6700, v5;
	v6 =	vsel vm8, $0xB00, v6;
	v12 =	vsel vm8, $0x1700, v12  }
0x5e: {  	s3 =	simm.s32 $0x0;
	s5 =	sshll.u32 s5, $0xA;
	s6 =	sshll.u32 s4, $0x9;
	v7 =	vsel vm6, $0x6B00, v7;
	v6 =	vsel vm7, $0xB80, v6;
	v12 =	vsel vm7, $0x1780, v12  }
0x5f: {  	[smem:$0x7FF] =	sst s3;
	s4 =	ssub.s32 $0x2, s4;
	s5 =	sor.u32 s6, s5;
	v8 =	vsel vm6, $0x2F00, v8;
	v6 =	vsel vm0, $0x2800, v6;
	v12 =	vsel vm0, $0x3400, v12  }
0x60: {  	_ =	strace $0x80000047;
	s24 =	sshrl.u32 s4, $0x1;
	s6 =	simm.s32 $0xF600;
	v11 =	vsel vm6, $0x7300, v11;
	v6 =	vsel vm1, $0x2880, v6;
	v12 =	vsel vm1, $0x3480, v12  }
.Ltmp0:
0x61: {  	s7 =	sshrl.u32 s5, $0x3;
	s4 =	ssub.s32 s4, s24;
	v13 =	vsel vm6, $0x7700, v13;
	v6 =	vsel vm2, $0x2900, v6;
	v12 =	vsel vm2, $0x3500, v12;
	(pc) =	sbr.rel .LBB2_1-.Ltmp0, $4  }
0x62: {  	s25 =	sadd.s32 s2, s5;
	s2 =	simm.s32 $0x9600;
	s5 =	simm.s32 $0xD600;
	v14 =	vsel vm6, $0x3B00, v14;
	v6 =	vsel vm3, $0x2980, v6;
	v12 =	vsel vm3, $0x3580, v12  }
0x63: {  	s1 =	sadd.s32 s1, s7;
	[dreg:$0x5] =	wrdreg s25;
	s26 =	smax.u32 s4, $0x1;
	v15 =	vsel vm6, $0x7B00, v15;
	v6 =	vsel vm4, $0x2A00, v6;
	v12 =	vsel vm4, $0x3600, v12  }
0x64: {  	s25 =	simm.s32 $0xA200;
	s4 =	simm.s32 $0xB600;
	[dreg:$0x4] =	wrdreg s1;
	v16 =	vsel vm6, $0x3F00, v16;
	v6 =	vsel vm5, $0x2A80, v6;
	v12 =	vsel vm5, $0x3680, v12  }
0x65: {  	s7 =	simm.s32 $0x9A00;
	[dreg:$0x6] =	wrdreg s26;
	s1 =	simm.s32 $0xF200;
	v17 =	vsel vm6, $0x7F00, v17;
	v6 =	vsel vm6, $0x2B00, v6;
	v12 =	vsel vm6, $0x3700, v12  }
.LBB2_6:
0x66: {  	s20 =	rddreg [dreg:$0x5];
	s21 =	simm.s32 $0x1000;
	s22 =	simm.s32 $0x20000  }
0x67: {  	[hbm4b:s20+s21] =	stream.strided.scatter [tilespmem:s18], [sflag:$0x3], $0x4000, s22, s21, $0x38;
	[tilespmem:$0x14200] =	vst v63  }
0x68: {  	s21 =	simm.s32 $0x3  }
0x69: {  	_ =	swait.ge [sflag:s21], $0x4000  }
0x6a: {  	s24 =	rddreg [dreg:$0x7]  }
0x6b: {  	s26 =	rddreg [dreg:$0x6];
	s22 =	sadd.s32 $0x1, s24  }
0x6c: {  	p0 =	sne.s32 s22, s26  }
.Ltmp1:
0x6d: {  	_ = 	snop;
	(pc) =	sbr.rel @!p0 .LBB2_7-.Ltmp1, $3  }
0x6e: {  	_ =	sdelay $0x1  }
0x6f: {  	[sflag:s21] =	ssyncset.done $0x0  }
0x70: {  	[sflag:s21] =	ssyncadd.s32 $0xFFFFC000  }
.LBB2_1:
0x71: {  	[dreg:$0x7] =	wrdreg s22  }
0x72: {  	s20 =	rddreg [dreg:$0x4]  }
0x73: {  	[tilespmem:s3], [sflag:$0x3] =	stream.linear.gather [hbm4b:s20+s3], $0x200, $0x38;
	[tilespmem:$0x14200] =	vst v63  }
0x74: {  	_ =	swait.ge [sflag:s21], $0x200  }
0x75: {  	[sflag:s21] =	ssyncset.done $0x0  }
0x76: {  	[sflag:s21] =	ssyncadd.s32 $0xFFFFFE00  }
0x77: {  	v18 =	vld [tilespmem:$0x0];
	_ =	sdelay $0x4  }
0x78: {  	(v2sf) =	vpush v18, $0x0;
	_ =	sdelay $0x7  }
0x79: {  	(v2sf) =	vpush v18, $0x1;
	_ =	sdelay $0x6  }
0x7a: {  	s23 =	spop (v2sf)  }
0x7b: {  	s20 =	sand.u32 $0xFFFFF80, s23  }
0x7c: {  	(v2sf) =	vpush v18, $0x2;
	s20 =	sadd.s32 s0, s20  }
0x7d: {  	[tilespmem:s8], [sflag:$0x1] =	stream.linear.gather [hbm4b:s20+s3], $0x400, $0x38;
	[tilespmem:$0x14200] =	vst v63  }
0x7e: {  	s26 =	simm.s32 $0x2200;
	s24 =	sadd.s32 $0xF4280, s20  }
0x7f: {  	[tilespmem:s26], [sflag:$0x1] =	stream.linear.gather [hbm4b:s24+s3], $0x400, $0x38;
	[tilespmem:$0x14200] =	vst v63  }
0x80: {  	s23 =	sadd.s32 $0x1E8500, s20;
	s24 =	simm.s32 $0x4200  }
0x81: {  	[tilespmem:s24], [sflag:$0x1] =	stream.linear.gather [hbm4b:s23+s3], $0x400, $0x38;
	[tilespmem:$0x14200] =	vst v63  }
0x82: {  	s22 =	spop (v2sf);
	s20 =	sadd.s32 $0x2DC780, s20;
	s26 =	simm.s32 $0x6200  }
0x83: {  	[tilespmem:s26], [sflag:$0x1] =	stream.linear.gather [hbm4b:s20+s3], $0x400, $0x38;
	[tilespmem:$0x14200] =	vst v63  }
0x84: {  	s20 =	sand.u32 $0xFFFFF80, s22  }
0x85: {  	(v2sf) =	vpush v18, $0x3;
	s23 =	simm.s32 $0x600;
	s20 =	sadd.s32 s0, s20  }
0x86: {  	[tilespmem:s23], [sflag:$0x1] =	stream.linear.gather [hbm4b:s20+s3], $0x400, $0x38;
	[tilespmem:$0x14200] =	vst v63  }
0x87: {  	s26 =	simm.s32 $0x2600;
	s24 =	sadd.s32 $0xF4280, s20  }
0x88: {  	[tilespmem:s26], [sflag:$0x1] =	stream.linear.gather [hbm4b:s24+s3], $0x400, $0x38;
	[tilespmem:$0x14200] =	vst v63  }
0x89: {  	s23 =	sadd.s32 $0x1E8500, s20;
	s24 =	simm.s32 $0x4600  }
0x8a: {  	[tilespmem:s24], [sflag:$0x1] =	stream.linear.gather [hbm4b:s23+s3], $0x400, $0x38;
	[tilespmem:$0x14200] =	vst v63  }
0x8b: {  	s20 =	sadd.s32 $0x2DC780, s20;
	s26 =	simm.s32 $0x6600;
	s22 =	spop (v2sf)  }
0x8c: {  	[tilespmem:s26], [sflag:$0x1] =	stream.linear.gather [hbm4b:s20+s3], $0x400, $0x38;
	[tilespmem:$0x14200] =	vst v63  }
0x8d: {  	s20 =	sand.u32 $0xFFFFF80, s22  }
0x8e: {  	s23 =	simm.s32 $0xA00;
	(v2sf) =	vpush v18, $0x4;
	s20 =	sadd.s32 s0, s20  }
0x8f: {  	[tilespmem:s23], [sflag:$0x1] =	stream.linear.gather [hbm4b:s20+s3], $0x400, $0x38;
	[tilespmem:$0x14200] =	vst v63  }
0x90: {  	s26 =	simm.s32 $0x2A00;
	s24 =	sadd.s32 $0xF4280, s20  }
0x91: {  	[tilespmem:s26], [sflag:$0x1] =	stream.linear.gather [hbm4b:s24+s3], $0x400, $0x38;
	[tilespmem:$0x14200] =	vst v63  }
0x92: {  	s23 =	sadd.s32 $0x1E8500, s20;
	s24 =	simm.s32 $0x4A00  }
0x93: {  	[tilespmem:s24], [sflag:$0x1] =	stream.linear.gather [hbm4b:s23+s3], $0x400, $0x38;
	[tilespmem:$0x14200] =	vst v63  }
0x94: {  	s22 =	spop (v2sf);
	s20 =	sadd.s32 $0x2DC780, s20;
	s26 =	simm.s32 $0x6A00  }
0x95: {  	[tilespmem:s26], [sflag:$0x1] =	stream.linear.gather [hbm4b:s20+s3], $0x400, $0x38;
	[tilespmem:$0x14200] =	vst v63  }
0x96: {  	s20 =	sand.u32 $0xFFFFF80, s22  }
0x97: {  	(v2sf) =	vpush v18, $0x5;
	s23 =	simm.s32 $0xE00;
	s20 =	sadd.s32 s0, s20  }
0x98: {  	[tilespmem:s23], [sflag:$0x1] =	stream.linear.gather [hbm4b:s20+s3], $0x400, $0x38;
	[tilespmem:$0x14200] =	vst v63  }
0x99: {  	s26 =	simm.s32 $0x2E00;
	s24 =	sadd.s32 $0xF4280, s20  }
0x9a: {  	[tilespmem:s26], [sflag:$0x1] =	stream.linear.gather [hbm4b:s24+s3], $0x400, $0x38;
	[tilespmem:$0x14200] =	vst v63  }
0x9b: {  	s23 =	sadd.s32 $0x1E8500, s20;
	s24 =	simm.s32 $0x4E00  }
0x9c: {  	[tilespmem:s24], [sflag:$0x1] =	stream.linear.gather [hbm4b:s23+s3], $0x400, $0x38;
	[tilespmem:$0x14200] =	vst v63  }
0x9d: {  	s20 =	sadd.s32 $0x2DC780, s20;
	s26 =	simm.s32 $0x6E00;
	s22 =	spop (v2sf)  }
0x9e: {  	[tilespmem:s26], [sflag:$0x1] =	stream.linear.gather [hbm4b:s20+s3], $0x400, $0x38;
	[tilespmem:$0x14200] =	vst v63  }
0x9f: {  	s20 =	sand.u32 $0xFFFFF80, s22  }
0xa0: {  	(v2sf) =	vpush v18, $0x6;
	s23 =	simm.s32 $0x1200;
	s20 =	sadd.s32 s0, s20  }
0xa1: {  	[tilespmem:s23], [sflag:$0x1] =	stream.linear.gather [hbm4b:s20+s3], $0x400, $0x38;
	[tilespmem:$0x14200] =	vst v63  }
0xa2: {  	s26 =	simm.s32 $0x3200;
	s24 =	sadd.s32 $0xF4280, s20  }
0xa3: {  	[tilespmem:s26], [sflag:$0x1] =	stream.linear.gather [hbm4b:s24+s3], $0x400, $0x38;
	[tilespmem:$0x14200] =	vst v63  }
0xa4: {  	s23 =	sadd.s32 $0x1E8500, s20;
	s24 =	simm.s32 $0x5200  }
0xa5: {  	[tilespmem:s24], [sflag:$0x1] =	stream.linear.gather [hbm4b:s23+s3], $0x400, $0x38;
	[tilespmem:$0x14200] =	vst v63  }
0xa6: {  	s22 =	spop (v2sf);
	s20 =	sadd.s32 $0x2DC780, s20;
	s26 =	simm.s32 $0x7200  }
0xa7: {  	[tilespmem:s26], [sflag:$0x1] =	stream.linear.gather [hbm4b:s20+s3], $0x400, $0x38;
	[tilespmem:$0x14200] =	vst v63  }
0xa8: {  	s20 =	sand.u32 $0xFFFFF80, s22  }
0xa9: {  	(v2sf) =	vpush v18, $0x7;
	s23 =	simm.s32 $0x1600;
	s20 =	sadd.s32 s0, s20  }
0xaa: {  	[tilespmem:s23], [sflag:$0x1] =	stream.linear.gather [hbm4b:s20+s3], $0x400, $0x38;
	[tilespmem:$0x14200] =	vst v63  }
0xab: {  	s26 =	simm.s32 $0x3600;
	s24 =	sadd.s32 $0xF4280, s20  }
0xac: {  	[tilespmem:s26], [sflag:$0x1] =	stream.linear.gather [hbm4b:s24+s3], $0x400, $0x38;
	[tilespmem:$0x14200] =	vst v63  }
0xad: {  	s23 =	sadd.s32 $0x1E8500, s20;
	s24 =	simm.s32 $0x5600  }
0xae: {  	[tilespmem:s24], [sflag:$0x1] =	stream.linear.gather [hbm4b:s23+s3], $0x400, $0x38;
	[tilespmem:$0x14200] =	vst v63  }
0xaf: {  	s20 =	sadd.s32 $0x2DC780, s20;
	s26 =	simm.s32 $0x7600;
	s22 =	spop (v2sf)  }
0xb0: {  	[tilespmem:s26], [sflag:$0x1] =	stream.linear.gather [hbm4b:s20+s3], $0x400, $0x38;
	[tilespmem:$0x14200] =	vst v63  }
0xb1: {  	s20 =	sand.u32 $0xFFFFF80, s22  }
0xb2: {  	(v2sf) =	vpush v18, $0x8;
	s23 =	simm.s32 $0x1A00;
	s20 =	sadd.s32 s0, s20  }
0xb3: {  	[tilespmem:s23], [sflag:$0x1] =	stream.linear.gather [hbm4b:s20+s3], $0x400, $0x38;
	[tilespmem:$0x14200] =	vst v63  }
0xb4: {  	s26 =	simm.s32 $0x3A00;
	s24 =	sadd.s32 $0xF4280, s20  }
0xb5: {  	[tilespmem:s26], [sflag:$0x1] =	stream.linear.gather [hbm4b:s24+s3], $0x400, $0x38;
	[tilespmem:$0x14200] =	vst v63  }
0xb6: {  	s23 =	sadd.s32 $0x1E8500, s20;
	s24 =	simm.s32 $0x5A00  }
0xb7: {  	[tilespmem:s24], [sflag:$0x1] =	stream.linear.gather [hbm4b:s23+s3], $0x400, $0x38;
	[tilespmem:$0x14200] =	vst v63  }
0xb8: {  	s22 =	spop (v2sf);
	s20 =	sadd.s32 $0x2DC780, s20;
	s26 =	simm.s32 $0x7A00  }
0xb9: {  	[tilespmem:s26], [sflag:$0x1] =	stream.linear.gather [hbm4b:s20+s3], $0x400, $0x38;
	[tilespmem:$0x14200] =	vst v63  }
0xba: {  	s20 =	sand.u32 $0xFFFFF80, s22  }
0xbb: {  	(v2sf) =	vpush v18, $0x9;
	s23 =	simm.s32 $0x1E00;
	s20 =	sadd.s32 s0, s20  }
0xbc: {  	[tilespmem:s23], [sflag:$0x1] =	stream.linear.gather [hbm4b:s20+s3], $0x400, $0x38;
	[tilespmem:$0x14200] =	vst v63  }
0xbd: {  	s26 =	simm.s32 $0x3E00;
	s24 =	sadd.s32 $0xF4280, s20  }
0xbe: {  	[tilespmem:s26], [sflag:$0x1] =	stream.linear.gather [hbm4b:s24+s3], $0x400, $0x38;
	[tilespmem:$0x14200] =	vst v63  }
0xbf: {  	s23 =	sadd.s32 $0x1E8500, s20;
	s24 =	simm.s32 $0x5E00  }
0xc0: {  	[tilespmem:s24], [sflag:$0x1] =	stream.linear.gather [hbm4b:s23+s3], $0x400, $0x38;
	[tilespmem:$0x14200] =	vst v63  }
0xc1: {  	s20 =	sadd.s32 $0x2DC780, s20;
	s22 =	spop (v2sf);
	s26 =	simm.s32 $0x7E00  }
0xc2: {  	[tilespmem:s26], [sflag:$0x1] =	stream.linear.gather [hbm4b:s20+s3], $0x400, $0x38;
	[tilespmem:$0x14200] =	vst v63  }
0xc3: {  	s20 =	sand.u32 $0xFFFFF80, s22  }
0xc4: {  	(v2sf) =	vpush v18, $0xA;
	s20 =	sadd.s32 s0, s20  }
0xc5: {  	[tilespmem:s12], [sflag:$0x2] =	stream.linear.gather [hbm4b:s20+s3], $0x400, $0x38;
	[tilespmem:$0x14200] =	vst v63  }
0xc6: {  	s23 =	sadd.s32 $0xF4280, s20  }
0xc7: {  	[tilespmem:s25], [sflag:$0x2] =	stream.linear.gather [hbm4b:s23+s3], $0x400, $0x38;
	[tilespmem:$0x14200] =	vst v63  }
0xc8: {  	s26 =	simm.s32 $0xC200;
	s24 =	sadd.s32 $0x1E8500, s20  }
0xc9: {  	[tilespmem:s26], [sflag:$0x2] =	stream.linear.gather [hbm4b:s24+s3], $0x400, $0x38;
	[tilespmem:$0x14200] =	vst v63  }
0xca: {  	s20 =	sadd.s32 $0x2DC780, s20;
	s23 =	simm.s32 $0xE200;
	s24 =	spop (v2sf)  }
0xcb: {  	[tilespmem:s23], [sflag:$0x2] =	stream.linear.gather [hbm4b:s20+s3], $0x400, $0x38;
	[tilespmem:$0x14200] =	vst v63  }
0xcc: {  	s20 =	sand.u32 $0xFFFFF80, s24  }
0xcd: {  	s26 =	simm.s32 $0x8600;
	(v2sf) =	vpush v18, $0xB;
	s20 =	sadd.s32 s0, s20  }
0xce: {  	[tilespmem:s26], [sflag:$0x2] =	stream.linear.gather [hbm4b:s20+s3], $0x400, $0x38;
	[tilespmem:$0x14200] =	vst v63  }
0xcf: {  	s23 =	simm.s32 $0xA600;
	s22 =	sadd.s32 $0xF4280, s20  }
0xd0: {  	[tilespmem:s23], [sflag:$0x2] =	stream.linear.gather [hbm4b:s22+s3], $0x400, $0x38;
	[tilespmem:$0x14200] =	vst v63  }
0xd1: {  	s24 =	sadd.s32 $0x1E8500, s20;
	s26 =	simm.s32 $0xC600  }
0xd2: {  	[tilespmem:s26], [sflag:$0x2] =	stream.linear.gather [hbm4b:s24+s3], $0x400, $0x38;
	[tilespmem:$0x14200] =	vst v63  }
0xd3: {  	s20 =	sadd.s32 $0x2DC780, s20;
	s23 =	simm.s32 $0xE600;
	s24 =	spop (v2sf)  }
0xd4: {  	[tilespmem:s23], [sflag:$0x2] =	stream.linear.gather [hbm4b:s20+s3], $0x400, $0x38;
	[tilespmem:$0x14200] =	vst v63  }
0xd5: {  	s20 =	sand.u32 $0xFFFFF80, s24  }
0xd6: {  	s26 =	simm.s32 $0x8A00;
	(v2sf) =	vpush v18, $0xC;
	s20 =	sadd.s32 s0, s20  }
0xd7: {  	[tilespmem:s26], [sflag:$0x2] =	stream.linear.gather [hbm4b:s20+s3], $0x400, $0x38;
	[tilespmem:$0x14200] =	vst v63  }
0xd8: {  	s23 =	simm.s32 $0xAA00;
	s22 =	sadd.s32 $0xF4280, s20  }
0xd9: {  	[tilespmem:s23], [sflag:$0x2] =	stream.linear.gather [hbm4b:s22+s3], $0x400, $0x38;
	[tilespmem:$0x14200] =	vst v63  }
0xda: {  	s24 =	sadd.s32 $0x1E8500, s20;
	s26 =	simm.s32 $0xCA00  }
0xdb: {  	[tilespmem:s26], [sflag:$0x2] =	stream.linear.gather [hbm4b:s24+s3], $0x400, $0x38;
	[tilespmem:$0x14200] =	vst v63  }
0xdc: {  	s20 =	sadd.s32 $0x2DC780, s20;
	s23 =	simm.s32 $0xEA00;
	s24 =	spop (v2sf)  }
0xdd: {  	[tilespmem:s23], [sflag:$0x2] =	stream.linear.gather [hbm4b:s20+s3], $0x400, $0x38;
	[tilespmem:$0x14200] =	vst v63  }
0xde: {  	s20 =	sand.u32 $0xFFFFF80, s24  }
0xdf: {  	s26 =	simm.s32 $0x8E00;
	(v2sf) =	vpush v18, $0xD;
	s20 =	sadd.s32 s0, s20  }
0xe0: {  	[tilespmem:s26], [sflag:$0x2] =	stream.linear.gather [hbm4b:s20+s3], $0x400, $0x38;
	[tilespmem:$0x14200] =	vst v63  }
0xe1: {  	s23 =	simm.s32 $0xAE00;
	s22 =	sadd.s32 $0xF4280, s20  }
0xe2: {  	[tilespmem:s23], [sflag:$0x2] =	stream.linear.gather [hbm4b:s22+s3], $0x400, $0x38;
	[tilespmem:$0x14200] =	vst v63  }
0xe3: {  	s24 =	sadd.s32 $0x1E8500, s20;
	s26 =	simm.s32 $0xCE00  }
0xe4: {  	[tilespmem:s26], [sflag:$0x2] =	stream.linear.gather [hbm4b:s24+s3], $0x400, $0x38;
	[tilespmem:$0x14200] =	vst v63  }
0xe5: {  	s20 =	sadd.s32 $0x2DC780, s20;
	s21 =	spop (v2sf)  }
0xe6: {  	(v2sf) =	vpush v18, $0xE;
	[tilespmem:s28], [sflag:$0x2] =	stream.linear.gather [hbm4b:s20+s3], $0x400, $0x38;
	[tilespmem:$0x14200] =	vst v63  }
0xe7: {  	s20 =	sand.u32 $0xFFFFF80, s21  }
0xe8: {  	s20 =	sadd.s32 s0, s20  }
0xe9: {  	[tilespmem:s29], [sflag:$0x2] =	stream.linear.gather [hbm4b:s20+s3], $0x400, $0x38;
	[tilespmem:$0x14200] =	vst v63  }
0xea: {  	s22 =	sadd.s32 $0xF4280, s20  }
0xeb: {  	[tilespmem:s30], [sflag:$0x2] =	stream.linear.gather [hbm4b:s22+s3], $0x400, $0x38;
	[tilespmem:$0x14200] =	vst v63  }
0xec: {  	s23 =	sadd.s32 $0x1E8500, s20  }
0xed: {  	[tilespmem:s31], [sflag:$0x2] =	stream.linear.gather [hbm4b:s23+s3], $0x400, $0x38;
	[tilespmem:$0x14200] =	vst v63  }
0xee: {  	s20 =	sadd.s32 $0x2DC780, s20;
	s24 =	spop (v2sf)  }
0xef: {  	[tilespmem:s1], [sflag:$0x2] =	stream.linear.gather [hbm4b:s20+s3], $0x400, $0x38;
	[tilespmem:$0x14200] =	vst v63  }
0xf0: {  	(v2sf) =	vpush v18, $0xF;
	s20 =	sand.u32 $0xFFFFF80, s24  }
0xf1: {  	s20 =	sadd.s32 s0, s20  }
0xf2: {  	[tilespmem:s2], [sflag:$0x2] =	stream.linear.gather [hbm4b:s20+s3], $0x400, $0x38;
	[tilespmem:$0x14200] =	vst v63  }
0xf3: {  	s26 =	sadd.s32 $0xF4280, s20  }
0xf4: {  	[tilespmem:s4], [sflag:$0x2] =	stream.linear.gather [hbm4b:s26+s3], $0x400, $0x38;
	[tilespmem:$0x14200] =	vst v63  }
0xf5: {  	s22 =	sadd.s32 $0x1E8500, s20;
	s23 =	spop (v2sf)  }
0xf6: {  	[tilespmem:s5], [sflag:$0x2] =	stream.linear.gather [hbm4b:s22+s3], $0x400, $0x38;
	[tilespmem:$0x14200] =	vst v63  }
0xf7: {  	s20 =	sadd.s32 $0x2DC780, s20;
	s24 =	sand.u32 $0xFFFFF80, s23  }
0xf8: {  	[tilespmem:s6], [sflag:$0x2] =	stream.linear.gather [hbm4b:s20+s3], $0x400, $0x38;
	[tilespmem:$0x14200] =	vst v63  }
0xf9: {  	s20 =	sadd.s32 s0, s24  }
0xfa: {  	[tilespmem:s7], [sflag:$0x2] =	stream.linear.gather [hbm4b:s20+s3], $0x400, $0x38;
	[tilespmem:$0x14200] =	vst v63  }
0xfb: {  	s26 =	sadd.s32 $0xF4280, s20  }
0xfc: {  	[tilespmem:s9], [sflag:$0x2] =	stream.linear.gather [hbm4b:s26+s3], $0x400, $0x38;
	[tilespmem:$0x14200] =	vst v63  }
0xfd: {  	s22 =	sadd.s32 $0x1E8500, s20  }
0xfe: {  	[tilespmem:s10], [sflag:$0x2] =	stream.linear.gather [hbm4b:s22+s3], $0x400, $0x38;
	[tilespmem:$0x14200] =	vst v63  }
0xff: {  	s20 =	sadd.s32 $0x2DC780, s20;
	s23 =	spop (v2sf)  }
0x100: {  	[tilespmem:s11], [sflag:$0x2] =	stream.linear.gather [hbm4b:s20+s3], $0x400, $0x38;
	[tilespmem:$0x14200] =	vst v63  }
0x101: {  	s20 =	sand.u32 $0xFFFFF80, s23  }
0x102: {  	s20 =	sadd.s32 s0, s20  }
0x103: {  	[tilespmem:s13], [sflag:$0x2] =	stream.linear.gather [hbm4b:s20+s3], $0x400, $0x38;
	[tilespmem:$0x14200] =	vst v63  }
0x104: {  	s24 =	sadd.s32 $0xF4280, s20  }
0x105: {  	[tilespmem:s14], [sflag:$0x2] =	stream.linear.gather [hbm4b:s24+s3], $0x400, $0x38;
	[tilespmem:$0x14200] =	vst v63  }
0x106: {  	s26 =	sadd.s32 $0x1E8500, s20  }
0x107: {  	[tilespmem:s15], [sflag:$0x2] =	stream.linear.gather [hbm4b:s26+s3], $0x400, $0x38;
	[tilespmem:$0x14200] =	vst v63  }
0x108: {  	s20 =	sadd.s32 $0x2DC780, s20  }
0x109: {  	[tilespmem:s16], [sflag:$0x2] =	stream.linear.gather [hbm4b:s20+s3], $0x400, $0x38;
	[tilespmem:$0x14200] =	vst v63  }
0x10a: {  	s21 =	simm.s32 $0x0;
	s22 =	simm.s32 $0x1;
	s20 =	simm.s32 $0xF  }
.LBB2_2:
0x10b: {  	v20 =	vld [tilespmem:s21+$0x0];
	_ =	sdelay $0x1  }
0x10c: {  	s23 =	smin.u32 s22, $0x1F  }
0x10d: {  	s23 =	sshll.u32 s23, $0x4  }
0x10e: {  	v18 =	vld [tilespmem:s23+$0x0];
	_ =	swait.ge [sflag:s17], $0x8000  }
0x10f: {  	(v2sf) =	vpush v20, $0x0;
	_ =	sdelay $0xe  }
0x110: {  	s24 =	spop (v2sf)  }
0x111: {  	s23 =	sand.u32 $0x7F, s24  }
0x112: {  	s24 =	sadd.s32 $0xFFFFFFF1, s20;
	v19 =	vor.u32 s23, v0  }
0x113: {  	v21 =	vmov s24  }
0x114: {  	v22 =	vshll.u32 v21, $0x3  }
0x115: {  	[sflag:s17] =	ssyncset.done $0x0;
	v21 =	vand.u32 $0x70, v21;
	v22 =	vand.u32 $0xC00, v22  }
0x116: {  	[sflag:s17] =	ssyncadd.s32 $0xFFFF8000;
	v21 =	vor.u32 v21, v22  }
0x117: {  	v23 =	vor.u32 v1, v21;
	v22 =	vld.idx.msk [tilespmem:v19+s8+$0x0], $0xffff  }
0x118: {  	v24 =	vor.u32 s23, v2;
	_ =	sdelay $0x2  }
0x119: {  	v19 =	vand.u32 $0x7F, v20  }
0x11a: {  	[tilespmem:v23+s18+$0x0] =	vst.idx.msk $0xffff, v22;
	v22 =	vbroadcast v19, $0x1  }
0x11b: {  	v21 =	vor.u32 v3, v21;
	v23 =	vld.idx.msk [tilespmem:v24+s8+$0x0], $0xffff  }
0x11c: {  	s26 =	sadd.s32 $0xFFFFFFF2, s20;
	v38 =	vor.u32 v4, v22  }
0x11d: {  	v25 =	vmov s26  }
0x11e: {  	v26 =	vshll.u32 v25, $0x3  }
0x11f: {  	v25 =	vand.u32 $0x71, v25;
	v26 =	vand.u32 $0xC00, v26  }
0x120: {  	[tilespmem:v21+s18+$0x0] =	vst.idx.msk $0xffff, v23;
	v21 =	vor.u32 v25, v26  }
0x121: {  	v23 =	vld.idx.msk [tilespmem:v38+s8+$0x0], $0xffff;
	v39 =	vor.u32 v1, v21  }
0x122: {  	v22 =	vor.u32 v5, v22;
	_ =	sdelay $0x3  }
0x123: {  	[tilespmem:v39+s18+$0x0] =	vst.idx.msk $0xffff, v23;
	v23 =	vbroadcast v19, $0x2  }
0x124: {  	v21 =	vor.u32 v3, v21;
	v22 =	vld.idx.msk [tilespmem:v22+s8+$0x0], $0xffff  }
0x125: {  	s24 =	sadd.s32 $0xFFFFFFF3, s20;
	v40 =	vor.u32 v6, v23  }
0x126: {  	v41 =	vmov s24  }
0x127: {  	v42 =	vshll.u32 v41, $0x3  }
0x128: {  	v25 =	vand.u32 $0x72, v41;
	v26 =	vand.u32 $0xC00, v42  }
0x129: {  	[tilespmem:v21+s18+$0x0] =	vst.idx.msk $0xffff, v22;
	v21 =	vor.u32 v25, v26  }
0x12a: {  	v22 =	vld.idx.msk [tilespmem:v40+s8+$0x0], $0xffff;
	v43 =	vor.u32 v1, v21  }
0x12b: {  	v23 =	vor.u32 v7, v23;
	_ =	sdelay $0x3  }
0x12c: {  	[tilespmem:v43+s18+$0x0] =	vst.idx.msk $0xffff, v22;
	v22 =	vbroadcast v19, $0x3  }
0x12d: {  	v21 =	vor.u32 v3, v21;
	v23 =	vld.idx.msk [tilespmem:v23+s8+$0x0], $0xffff  }
0x12e: {  	s26 =	sadd.s32 $0xFFFFFFF4, s20;
	v44 =	vor.u32 v8, v22  }
0x12f: {  	v45 =	vmov s26  }
0x130: {  	v46 =	vshll.u32 v45, $0x3  }
0x131: {  	v25 =	vand.u32 $0x73, v45;
	v26 =	vand.u32 $0xC00, v46  }
0x132: {  	[tilespmem:v21+s18+$0x0] =	vst.idx.msk $0xffff, v23;
	v21 =	vor.u32 v25, v26  }
0x133: {  	v23 =	vld.idx.msk [tilespmem:v44+s8+$0x0], $0xffff;
	v47 =	vor.u32 v1, v21  }
0x134: {  	v22 =	vor.u32 v9, v22;
	_ =	sdelay $0x3  }
0x135: {  	[tilespmem:v47+s18+$0x0] =	vst.idx.msk $0xffff, v23;
	v23 =	vbroadcast v19, $0x4  }
0x136: {  	v21 =	vor.u32 v3, v21;
	v22 =	vld.idx.msk [tilespmem:v22+s8+$0x0], $0xffff  }
0x137: {  	s24 =	sadd.s32 $0xFFFFFFF5, s20;
	v48 =	vor.u32 v10, v23  }
0x138: {  	v49 =	vmov s24  }
0x139: {  	v50 =	vshll.u32 v49, $0x3  }
0x13a: {  	v25 =	vand.u32 $0x74, v49;
	v26 =	vand.u32 $0xC00, v50  }
0x13b: {  	[tilespmem:v21+s18+$0x0] =	vst.idx.msk $0xffff, v22;
	v21 =	vor.u32 v25, v26  }
0x13c: {  	v22 =	vld.idx.msk [tilespmem:v48+s8+$0x0], $0xffff;
	v51 =	vor.u32 v1, v21  }
0x13d: {  	v23 =	vor.u32 v11, v23;
	_ =	sdelay $0x3  }
0x13e: {  	[tilespmem:v51+s18+$0x0] =	vst.idx.msk $0xffff, v22;
	v22 =	vbroadcast v19, $0x5  }
0x13f: {  	v21 =	vor.u32 v3, v21;
	v23 =	vld.idx.msk [tilespmem:v23+s8+$0x0], $0xffff  }
0x140: {  	s26 =	sadd.s32 $0xFFFFFFF6, s20;
	v52 =	vor.u32 v12, v22  }
0x141: {  	v53 =	vmov s26  }
0x142: {  	v54 =	vshll.u32 v53, $0x3  }
0x143: {  	v25 =	vand.u32 $0x75, v53;
	v26 =	vand.u32 $0xC00, v54  }
0x144: {  	[tilespmem:v21+s18+$0x0] =	vst.idx.msk $0xffff, v23;
	v21 =	vor.u32 v25, v26  }
0x145: {  	v23 =	vld.idx.msk [tilespmem:v52+s8+$0x0], $0xffff;
	v55 =	vor.u32 v1, v21  }
0x146: {  	v22 =	vor.u32 v13, v22;
	_ =	sdelay $0x3  }
0x147: {  	[tilespmem:v55+s18+$0x0] =	vst.idx.msk $0xffff, v23;
	v23 =	vbroadcast v19, $0x6  }
0x148: {  	v21 =	vor.u32 v3, v21;
	v22 =	vld.idx.msk [tilespmem:v22+s8+$0x0], $0xffff  }
0x149: {  	s24 =	sadd.s32 $0xFFFFFFF7, s20;
	v56 =	vor.u32 v14, v23  }
0x14a: {  	v57 =	vmov s24  }
0x14b: {  	v58 =	vshll.u32 v57, $0x3  }
0x14c: {  	v25 =	vand.u32 $0x76, v57;
	v26 =	vand.u32 $0xC00, v58  }
0x14d: {  	[tilespmem:v21+s18+$0x0] =	vst.idx.msk $0xffff, v22;
	v21 =	vor.u32 v25, v26  }
0x14e: {  	v22 =	vld.idx.msk [tilespmem:v56+s8+$0x0], $0xffff;
	v59 =	vor.u32 v1, v21  }
0x14f: {  	v23 =	vor.u32 v15, v23;
	_ =	sdelay $0x3  }
0x150: {  	[tilespmem:v59+s18+$0x0] =	vst.idx.msk $0xffff, v22;
	v22 =	vbroadcast v19, $0x7  }
0x151: {  	v21 =	vor.u32 v3, v21;
	v23 =	vld.idx.msk [tilespmem:v23+s8+$0x0], $0xffff  }
0x152: {  	s26 =	sadd.s32 $0xFFFFFFF8, s20;
	v60 =	vor.u32 v16, v22  }
0x153: {  	v61 =	vmov s26  }
0x154: {  	v62 =	vshll.u32 v61, $0x3  }
0x155: {  	v25 =	vand.u32 $0x77, v61;
	v26 =	vand.u32 $0xC00, v62  }
0x156: {  	[tilespmem:v21+s18+$0x0] =	vst.idx.msk $0xffff, v23;
	v21 =	vor.u32 v25, v26  }
0x157: {  	v23 =	vld.idx.msk [tilespmem:v60+s8+$0x0], $0xffff;
	v63 =	vor.u32 v1, v21  }
0x158: {  	v22 =	vor.u32 v17, v22;
	_ =	sdelay $0x3  }
0x159: {  	[tilespmem:v63+s18+$0x0] =	vst.idx.msk $0xffff, v23  }
0x15a: {  	p0 =	seq.s32 s20, $0x1FF;
	v21 =	vor.u32 v3, v21;
	v22 =	vld.idx.msk [tilespmem:v22+s8+$0x0], $0xffff  }
.Ltmp2:
0x15b: {  	_ = 	snop;
	(pc) =	sbr.rel @p0 .LBB2_4-.Ltmp2, $2  }
0x15c: {  	_ =	sdelay $0x2  }
0x15d: {  	[tilespmem:v21+s18+$0x0] =	vst.idx.msk $0xffff, v22  }
0x15e: {  	(v2sf) =	vpush v18, $0x0;
	_ =	sdelay $0x7  }
0x15f: {  	(v2sf) =	vpush v18, $0x1;
	_ =	sdelay $0x6  }
0x160: {  	s23 =	spop (v2sf)  }
0x161: {  	s23 =	sand.u32 $0xFFFFF80, s23  }
0x162: {  	(v2sf) =	vpush v18, $0x2;
	s23 =	sadd.s32 s0, s23  }
0x163: {  	[tilespmem:s8], [sflag:$0x1] =	stream.linear.gather [hbm4b:s23+s3], $0x400, $0x38;
	[tilespmem:$0x14200] =	vst v63  }
0x164: {  	s25 =	simm.s32 $0x2200;
	s24 =	sadd.s32 $0xF4280, s23  }
0x165: {  	[tilespmem:s25], [sflag:$0x1] =	stream.linear.gather [hbm4b:s24+s3], $0x400, $0x38;
	[tilespmem:$0x14200] =	vst v63  }
0x166: {  	s26 =	simm.s32 $0x4200;
	s25 =	sadd.s32 $0x1E8500, s23  }
0x167: {  	[tilespmem:s26], [sflag:$0x1] =	stream.linear.gather [hbm4b:s25+s3], $0x400, $0x38;
	[tilespmem:$0x14200] =	vst v63  }
0x168: {  	s23 =	sadd.s32 $0x2DC780, s23;
	s26 =	simm.s32 $0x6200;
	s25 =	spop (v2sf)  }
0x169: {  	[tilespmem:s26], [sflag:$0x1] =	stream.linear.gather [hbm4b:s23+s3], $0x400, $0x38;
	[tilespmem:$0x14200] =	vst v63  }
0x16a: {  	s23 =	sand.u32 $0xFFFFF80, s25  }
0x16b: {  	(v2sf) =	vpush v18, $0x3;
	s26 =	simm.s32 $0x600;
	s23 =	sadd.s32 s0, s23  }
0x16c: {  	[tilespmem:s26], [sflag:$0x1] =	stream.linear.gather [hbm4b:s23+s3], $0x400, $0x38;
	[tilespmem:$0x14200] =	vst v63  }
0x16d: {  	s25 =	sadd.s32 $0xF4280, s23;
	s26 =	simm.s32 $0x2600  }
0x16e: {  	[tilespmem:s26], [sflag:$0x1] =	stream.linear.gather [hbm4b:s25+s3], $0x400, $0x38;
	[tilespmem:$0x14200] =	vst v63  }
0x16f: {  	s25 =	sadd.s32 $0x1E8500, s23;
	s26 =	simm.s32 $0x4600  }
0x170: {  	[tilespmem:s26], [sflag:$0x1] =	stream.linear.gather [hbm4b:s25+s3], $0x400, $0x38;
	[tilespmem:$0x14200] =	vst v63  }
0x171: {  	s23 =	sadd.s32 $0x2DC780, s23;
	s26 =	simm.s32 $0x6600;
	s25 =	spop (v2sf)  }
0x172: {  	[tilespmem:s26], [sflag:$0x1] =	stream.linear.gather [hbm4b:s23+s3], $0x400, $0x38;
	[tilespmem:$0x14200] =	vst v63  }
0x173: {  	s23 =	sand.u32 $0xFFFFF80, s25  }
0x174: {  	(v2sf) =	vpush v18, $0x4;
	s26 =	simm.s32 $0xA00;
	s23 =	sadd.s32 s0, s23  }
0x175: {  	[tilespmem:s26], [sflag:$0x1] =	stream.linear.gather [hbm4b:s23+s3], $0x400, $0x38;
	[tilespmem:$0x14200] =	vst v63  }
0x176: {  	s25 =	sadd.s32 $0xF4280, s23;
	s26 =	simm.s32 $0x2A00  }
0x177: {  	[tilespmem:s26], [sflag:$0x1] =	stream.linear.gather [hbm4b:s25+s3], $0x400, $0x38;
	[tilespmem:$0x14200] =	vst v63  }
0x178: {  	s25 =	sadd.s32 $0x1E8500, s23;
	s26 =	simm.s32 $0x4A00  }
0x179: {  	[tilespmem:s26], [sflag:$0x1] =	stream.linear.gather [hbm4b:s25+s3], $0x400, $0x38;
	[tilespmem:$0x14200] =	vst v63  }
0x17a: {  	s23 =	sadd.s32 $0x2DC780, s23;
	s26 =	simm.s32 $0x6A00;
	s25 =	spop (v2sf)  }
0x17b: {  	[tilespmem:s26], [sflag:$0x1] =	stream.linear.gather [hbm4b:s23+s3], $0x400, $0x38;
	[tilespmem:$0x14200] =	vst v63  }
0x17c: {  	s23 =	sand.u32 $0xFFFFF80, s25  }
0x17d: {  	(v2sf) =	vpush v18, $0x5;
	s26 =	simm.s32 $0xE00;
	s23 =	sadd.s32 s0, s23  }
0x17e: {  	[tilespmem:s26], [sflag:$0x1] =	stream.linear.gather [hbm4b:s23+s3], $0x400, $0x38;
	[tilespmem:$0x14200] =	vst v63  }
0x17f: {  	s25 =	sadd.s32 $0xF4280, s23;
	s26 =	simm.s32 $0x2E00  }
0x180: {  	[tilespmem:s26], [sflag:$0x1] =	stream.linear.gather [hbm4b:s25+s3], $0x400, $0x38;
	[tilespmem:$0x14200] =	vst v63  }
0x181: {  	s25 =	sadd.s32 $0x1E8500, s23;
	s26 =	simm.s32 $0x4E00  }
0x182: {  	[tilespmem:s26], [sflag:$0x1] =	stream.linear.gather [hbm4b:s25+s3], $0x400, $0x38;
	[tilespmem:$0x14200] =	vst v63  }
0x183: {  	s23 =	sadd.s32 $0x2DC780, s23;
	s26 =	simm.s32 $0x6E00;
	s25 =	spop (v2sf)  }
0x184: {  	[tilespmem:s26], [sflag:$0x1] =	stream.linear.gather [hbm4b:s23+s3], $0x400, $0x38;
	[tilespmem:$0x14200] =	vst v63  }
0x185: {  	(v2sf) =	vpush v18, $0x6;
	s23 =	sand.u32 $0xFFFFF80, s25  }
0x186: {  	s26 =	simm.s32 $0x1200;
	s23 =	sadd.s32 s0, s23  }
0x187: {  	[tilespmem:s26], [sflag:$0x1] =	stream.linear.gather [hbm4b:s23+s3], $0x400, $0x38;
	[tilespmem:$0x14200] =	vst v63  }
0x188: {  	s25 =	sadd.s32 $0xF4280, s23;
	s26 =	simm.s32 $0x3200  }
0x189: {  	[tilespmem:s26], [sflag:$0x1] =	stream.linear.gather [hbm4b:s25+s3], $0x400, $0x38;
	[tilespmem:$0x14200] =	vst v63  }
0x18a: {  	s25 =	sadd.s32 $0x1E8500, s23;
	s26 =	simm.s32 $0x5200  }
0x18b: {  	[tilespmem:s26], [sflag:$0x1] =	stream.linear.gather [hbm4b:s25+s3], $0x400, $0x38;
	[tilespmem:$0x14200] =	vst v63  }
0x18c: {  	s23 =	sadd.s32 $0x2DC780, s23;
	s26 =	simm.s32 $0x7200;
	s25 =	spop (v2sf)  }
0x18d: {  	[tilespmem:s26], [sflag:$0x1] =	stream.linear.gather [hbm4b:s23+s3], $0x400, $0x38;
	[tilespmem:$0x14200] =	vst v63  }
0x18e: {  	s23 =	sand.u32 $0xFFFFF80, s25  }
0x18f: {  	(v2sf) =	vpush v18, $0x7;
	s26 =	simm.s32 $0x1600;
	s23 =	sadd.s32 s0, s23  }
0x190: {  	[tilespmem:s26], [sflag:$0x1] =	stream.linear.gather [hbm4b:s23+s3], $0x400, $0x38;
	[tilespmem:$0x14200] =	vst v63  }
0x191: {  	s25 =	sadd.s32 $0xF4280, s23;
	s26 =	simm.s32 $0x3600  }
0x192: {  	[tilespmem:s26], [sflag:$0x1] =	stream.linear.gather [hbm4b:s25+s3], $0x400, $0x38;
	[tilespmem:$0x14200] =	vst v63  }
0x193: {  	s25 =	sadd.s32 $0x1E8500, s23  }
0x194: {  	s26 =	simm.s32 $0x5600;
	s23 =	sadd.s32 $0x2DC780, s23;
	s24 =	spop (v2sf)  }
0x195: {  	[tilespmem:s26], [sflag:$0x1] =	stream.linear.gather [hbm4b:s25+s3], $0x400, $0x38;
	[tilespmem:$0x14200] =	vst v63  }
0x196: {  	s26 =	simm.s32 $0x7600;
	s25 =	sand.u32 $0xFFFFF80, s24  }
0x197: {  	[tilespmem:s26], [sflag:$0x1] =	stream.linear.gather [hbm4b:s23+s3], $0x400, $0x38;
	[tilespmem:$0x14200] =	vst v63  }
0x198: {  	s23 =	sadd.s32 s0, s25;
	s26 =	simm.s32 $0x1A00  }
0x199: {  	[tilespmem:s26], [sflag:$0x1] =	stream.linear.gather [hbm4b:s23+s3], $0x400, $0x38;
	[tilespmem:$0x14200] =	vst v63  }
0x19a: {  	s25 =	sadd.s32 $0xF4280, s23;
	s26 =	simm.s32 $0x3A00  }
0x19b: {  	[tilespmem:s26], [sflag:$0x1] =	stream.linear.gather [hbm4b:s25+s3], $0x400, $0x38;
	[tilespmem:$0x14200] =	vst v63  }
0x19c: {  	s25 =	sadd.s32 $0x1E8500, s23;
	s26 =	simm.s32 $0x5A00  }
0x19d: {  	[tilespmem:s26], [sflag:$0x1] =	stream.linear.gather [hbm4b:s25+s3], $0x400, $0x38;
	[tilespmem:$0x14200] =	vst v63  }
0x19e: {  	s23 =	sadd.s32 $0x2DC780, s23;
	s26 =	simm.s32 $0x7A00;
	s25 =	spop (v2sf)  }
0x19f: {  	[tilespmem:s26], [sflag:$0x1] =	stream.linear.gather [hbm4b:s23+s3], $0x400, $0x38;
	[tilespmem:$0x14200] =	vst v63  }
0x1a0: {  	s23 =	sand.u32 $0xFFFFF80, s25  }
0x1a1: {  	s26 =	simm.s32 $0x1E00;
	s23 =	sadd.s32 s0, s23  }
0x1a2: {  	[tilespmem:s26], [sflag:$0x1] =	stream.linear.gather [hbm4b:s23+s3], $0x400, $0x38;
	[tilespmem:$0x14200] =	vst v63  }
0x1a3: {  	s25 =	sadd.s32 $0xF4280, s23;
	s26 =	simm.s32 $0x3E00  }
0x1a4: {  	[tilespmem:s26], [sflag:$0x1] =	stream.linear.gather [hbm4b:s25+s3], $0x400, $0x38;
	[tilespmem:$0x14200] =	vst v63  }
0x1a5: {  	s25 =	sadd.s32 $0x1E8500, s23;
	s26 =	simm.s32 $0x5E00  }
0x1a6: {  	[tilespmem:s26], [sflag:$0x1] =	stream.linear.gather [hbm4b:s25+s3], $0x400, $0x38;
	[tilespmem:$0x14200] =	vst v63  }
0x1a7: {  	s23 =	sadd.s32 $0x2DC780, s23;
	s25 =	simm.s32 $0xA200;
	s26 =	simm.s32 $0x7E00  }
0x1a8: {  	[tilespmem:s26], [sflag:$0x1] =	stream.linear.gather [hbm4b:s23+s3], $0x400, $0x38;
	[tilespmem:$0x14200] =	vst v63  }
.LBB2_4:
0x1a9: {  	_ =	swait.ge [sflag:s19], $0x8000  }
0x1aa: {  	(v2sf) =	vpush v20, $0x8;
	_ =	sdelay $0xe  }
0x1ab: {  	s23 =	spop (v2sf)  }
0x1ac: {  	s23 =	sand.u32 $0x7F, s23  }
0x1ad: {  	s24 =	sadd.s32 $0xFFFFFFF9, s20;
	v20 =	vor.u32 s23, v0  }
0x1ae: {  	v21 =	vmov s24  }
0x1af: {  	v22 =	vshll.u32 v21, $0x3  }
0x1b0: {  	[sflag:s19] =	ssyncset.done $0x0;
	v21 =	vand.u32 $0x78, v21;
	v22 =	vand.u32 $0xC00, v22  }
0x1b1: {  	[sflag:s19] =	ssyncadd.s32 $0xFFFF8000;
	v21 =	vor.u32 v21, v22  }
0x1b2: {  	v22 =	vor.u32 v1, v21;
	v20 =	vld.idx.msk [tilespmem:v20+s12+$0x0], $0xffff  }
0x1b3: {  	v23 =	vor.u32 s23, v2;
	_ =	sdelay $0x3  }
0x1b4: {  	[tilespmem:v22+s18+$0x0] =	vst.idx.msk $0xffff, v20;
	v20 =	vbroadcast v19, $0x9  }
0x1b5: {  	v21 =	vor.u32 v3, v21;
	v22 =	vld.idx.msk [tilespmem:v23+s12+$0x0], $0xffff  }
0x1b6: {  	s24 =	sadd.s32 $0xFFFFFFFA, s20;
	v32 =	vor.u32 v4, v20  }
0x1b7: {  	v24 =	vmov s24  }
0x1b8: {  	v25 =	vshll.u32 v24, $0x3  }
0x1b9: {  	v24 =	vand.u32 $0x79, v24;
	v25 =	vand.u32 $0xC00, v25  }
0x1ba: {  	v33 =	vor.u32 v24, v25;
	[tilespmem:v21+s18+$0x0] =	vst.idx.msk $0xffff, v22  }
0x1bb: {  	v34 =	vor.u32 v1, v33;
	v22 =	vld.idx.msk [tilespmem:v32+s12+$0x0], $0xffff  }
0x1bc: {  	v20 =	vor.u32 v5, v20;
	_ =	sdelay $0x3  }
0x1bd: {  	v35 =	vbroadcast v19, $0xA;
	[tilespmem:v34+s18+$0x0] =	vst.idx.msk $0xffff, v22  }
0x1be: {  	v21 =	vor.u32 v3, v33;
	v20 =	vld.idx.msk [tilespmem:v20+s12+$0x0], $0xffff  }
0x1bf: {  	s26 =	sadd.s32 $0xFFFFFFFB, s20;
	v36 =	vor.u32 v6, v35  }
0x1c0: {  	v37 =	vmov s26  }
0x1c1: {  	v38 =	vshll.u32 v37, $0x3  }
0x1c2: {  	v24 =	vand.u32 $0x7A, v37;
	v25 =	vand.u32 $0xC00, v38  }
0x1c3: {  	[tilespmem:v21+s18+$0x0] =	vst.idx.msk $0xffff, v20;
	v20 =	vor.u32 v24, v25  }
0x1c4: {  	v21 =	vld.idx.msk [tilespmem:v36+s12+$0x0], $0xffff;
	v39 =	vor.u32 v1, v20  }
0x1c5: {  	v22 =	vor.u32 v7, v35;
	_ =	sdelay $0x3  }
0x1c6: {  	v40 =	vbroadcast v19, $0xB;
	[tilespmem:v39+s18+$0x0] =	vst.idx.msk $0xffff, v21  }
0x1c7: {  	v20 =	vor.u32 v3, v20;
	v22 =	vld.idx.msk [tilespmem:v22+s12+$0x0], $0xffff  }
0x1c8: {  	s24 =	sadd.s32 $0xFFFFFFFC, s20;
	v41 =	vor.u32 v8, v40  }
0x1c9: {  	v42 =	vmov s24  }
0x1ca: {  	v43 =	vshll.u32 v42, $0x3  }
0x1cb: {  	v24 =	vand.u32 $0x7B, v42;
	v25 =	vand.u32 $0xC00, v43  }
0x1cc: {  	[tilespmem:v20+s18+$0x0] =	vst.idx.msk $0xffff, v22;
	v20 =	vor.u32 v24, v25  }
0x1cd: {  	v22 =	vld.idx.msk [tilespmem:v41+s12+$0x0], $0xffff;
	v44 =	vor.u32 v1, v20  }
0x1ce: {  	v21 =	vor.u32 v9, v40;
	_ =	sdelay $0x3  }
0x1cf: {  	v45 =	vbroadcast v19, $0xC;
	[tilespmem:v44+s18+$0x0] =	vst.idx.msk $0xffff, v22  }
0x1d0: {  	v20 =	vor.u32 v3, v20;
	v21 =	vld.idx.msk [tilespmem:v21+s12+$0x0], $0xffff  }
0x1d1: {  	s26 =	sadd.s32 $0xFFFFFFFD, s20;
	v46 =	vor.u32 v10, v45  }
0x1d2: {  	v47 =	vmov s26  }
0x1d3: {  	v48 =	vshll.u32 v47, $0x3  }
0x1d4: {  	v24 =	vand.u32 $0x7C, v47;
	v25 =	vand.u32 $0xC00, v48  }
0x1d5: {  	[tilespmem:v20+s18+$0x0] =	vst.idx.msk $0xffff, v21;
	v20 =	vor.u32 v24, v25  }
0x1d6: {  	v21 =	vld.idx.msk [tilespmem:v46+s12+$0x0], $0xffff;
	v49 =	vor.u32 v1, v20  }
0x1d7: {  	v22 =	vor.u32 v11, v45;
	_ =	sdelay $0x3  }
0x1d8: {  	v50 =	vbroadcast v19, $0xD;
	[tilespmem:v49+s18+$0x0] =	vst.idx.msk $0xffff, v21  }
0x1d9: {  	v20 =	vor.u32 v3, v20;
	v22 =	vld.idx.msk [tilespmem:v22+s12+$0x0], $0xffff  }
0x1da: {  	v51 =	vor.u32 v12, v50;
	s24 =	sadd.s32 $0xFFFFFFFE, s20  }
0x1db: {  	v52 =	vmov s24  }
0x1dc: {  	v53 =	vshll.u32 v52, $0x3  }
0x1dd: {  	v24 =	vand.u32 $0x7D, v52;
	v25 =	vand.u32 $0xC00, v53  }
0x1de: {  	[tilespmem:v20+s18+$0x0] =	vst.idx.msk $0xffff, v22;
	v20 =	vor.u32 v24, v25  }
0x1df: {  	v22 =	vld.idx.msk [tilespmem:v51+s12+$0x0], $0xffff;
	v54 =	vor.u32 v1, v20  }
0x1e0: {  	v21 =	vor.u32 v13, v50;
	_ =	sdelay $0x3  }
0x1e1: {  	v55 =	vbroadcast v19, $0xE;
	[tilespmem:v54+s18+$0x0] =	vst.idx.msk $0xffff, v22  }
0x1e2: {  	v20 =	vor.u32 v3, v20;
	v21 =	vld.idx.msk [tilespmem:v21+s12+$0x0], $0xffff  }
0x1e3: {  	s26 =	sadd.s32 $0xFFFFFFFF, s20;
	v56 =	vor.u32 v14, v55  }
0x1e4: {  	v57 =	vmov s26  }
0x1e5: {  	v58 =	vshll.u32 v57, $0x3  }
0x1e6: {  	v24 =	vand.u32 $0x7E, v57;
	v25 =	vand.u32 $0xC00, v58  }
0x1e7: {  	[tilespmem:v20+s18+$0x0] =	vst.idx.msk $0xffff, v21;
	v20 =	vor.u32 v24, v25  }
0x1e8: {  	v21 =	vld.idx.msk [tilespmem:v56+s12+$0x0], $0xffff;
	v59 =	vor.u32 v1, v20  }
0x1e9: {  	v22 =	vor.u32 v15, v55;
	_ =	sdelay $0x3  }
0x1ea: {  	v19 =	vbroadcast v19, $0xF;
	[tilespmem:v59+s18+$0x0] =	vst.idx.msk $0xffff, v21  }
0x1eb: {  	v20 =	vor.u32 v3, v20;
	v21 =	vld.idx.msk [tilespmem:v22+s12+$0x0], $0xffff  }
0x1ec: {  	v60 =	vor.u32 v16, v19  }
0x1ed: {  	v61 =	vmov s20  }
0x1ee: {  	v62 =	vshll.u32 v61, $0x3  }
0x1ef: {  	v23 =	vand.u32 $0x7F, v61;
	v24 =	vand.u32 $0xC00, v62  }
0x1f0: {  	[tilespmem:v20+s18+$0x0] =	vst.idx.msk $0xffff, v21;
	v20 =	vor.u32 v23, v24  }
0x1f1: {  	v21 =	vld.idx.msk [tilespmem:v60+s12+$0x0], $0xffff;
	v63 =	vor.u32 v1, v20  }
0x1f2: {  	v19 =	vor.u32 v17, v19;
	_ =	sdelay $0x3  }
0x1f3: {  	[tilespmem:v63+s18+$0x0] =	vst.idx.msk $0xffff, v21  }
0x1f4: {  	v20 =	vor.u32 v3, v20;
	v19 =	vld.idx.msk [tilespmem:v19+s12+$0x0], $0xffff  }
.Ltmp3:
0x1f5: {  	_ = 	snop;
	(pc) =	sbr.rel @p0 .LBB2_6-.Ltmp3, $2  }
0x1f6: {  	_ =	sdelay $0x2  }
0x1f7: {  	[tilespmem:v20+s18+$0x0] =	vst.idx.msk $0xffff, v19  }
0x1f8: {  	(v2sf) =	vpush v18, $0x8;
	_ =	sdelay $0x7  }
0x1f9: {  	(v2sf) =	vpush v18, $0x9;
	_ =	sdelay $0x6  }
0x1fa: {  	s23 =	spop (v2sf)  }
0x1fb: {  	s23 =	sand.u32 $0xFFFFF80, s23  }
0x1fc: {  	(v2sf) =	vpush v18, $0xA;
	s23 =	sadd.s32 s0, s23  }
0x1fd: {  	[tilespmem:s12], [sflag:$0x2] =	stream.linear.gather [hbm4b:s23+s3], $0x400, $0x38;
	[tilespmem:$0x14200] =	vst v63  }
0x1fe: {  	s24 =	sadd.s32 $0xF4280, s23  }
0x1ff: {  	[tilespmem:s25], [sflag:$0x2] =	stream.linear.gather [hbm4b:s24+s3], $0x400, $0x38;
	[tilespmem:$0x14200] =	vst v63  }
0x200: {  	s26 =	simm.s32 $0xC200;
	s24 =	sadd.s32 $0x1E8500, s23  }
0x201: {  	[tilespmem:s26], [sflag:$0x2] =	stream.linear.gather [hbm4b:s24+s3], $0x400, $0x38;
	[tilespmem:$0x14200] =	vst v63  }
0x202: {  	s23 =	sadd.s32 $0x2DC780, s23;
	s26 =	simm.s32 $0xE200;
	s24 =	spop (v2sf)  }
0x203: {  	[tilespmem:s26], [sflag:$0x2] =	stream.linear.gather [hbm4b:s23+s3], $0x400, $0x38;
	[tilespmem:$0x14200] =	vst v63  }
0x204: {  	s23 =	sand.u32 $0xFFFFF80, s24  }
0x205: {  	(v2sf) =	vpush v18, $0xB;
	s26 =	simm.s32 $0x8600;
	s23 =	sadd.s32 s0, s23  }
0x206: {  	[tilespmem:s26], [sflag:$0x2] =	stream.linear.gather [hbm4b:s23+s3], $0x400, $0x38;
	[tilespmem:$0x14200] =	vst v63  }
0x207: {  	s24 =	sadd.s32 $0xF4280, s23;
	s26 =	simm.s32 $0xA600  }
0x208: {  	[tilespmem:s26], [sflag:$0x2] =	stream.linear.gather [hbm4b:s24+s3], $0x400, $0x38;
	[tilespmem:$0x14200] =	vst v63  }
0x209: {  	s24 =	sadd.s32 $0x1E8500, s23;
	s26 =	simm.s32 $0xC600  }
0x20a: {  	[tilespmem:s26], [sflag:$0x2] =	stream.linear.gather [hbm4b:s24+s3], $0x400, $0x38;
	[tilespmem:$0x14200] =	vst v63  }
0x20b: {  	s23 =	sadd.s32 $0x2DC780, s23;
	s26 =	simm.s32 $0xE600;
	s24 =	spop (v2sf)  }
0x20c: {  	[tilespmem:s26], [sflag:$0x2] =	stream.linear.gather [hbm4b:s23+s3], $0x400, $0x38;
	[tilespmem:$0x14200] =	vst v63  }
0x20d: {  	s23 =	sand.u32 $0xFFFFF80, s24  }
0x20e: {  	(v2sf) =	vpush v18, $0xC;
	s26 =	simm.s32 $0x8A00;
	s23 =	sadd.s32 s0, s23  }
0x20f: {  	[tilespmem:s26], [sflag:$0x2] =	stream.linear.gather [hbm4b:s23+s3], $0x400, $0x38;
	[tilespmem:$0x14200] =	vst v63  }
0x210: {  	s24 =	sadd.s32 $0xF4280, s23;
	s26 =	simm.s32 $0xAA00  }
0x211: {  	[tilespmem:s26], [sflag:$0x2] =	stream.linear.gather [hbm4b:s24+s3], $0x400, $0x38;
	[tilespmem:$0x14200] =	vst v63  }
0x212: {  	s24 =	sadd.s32 $0x1E8500, s23;
	s26 =	simm.s32 $0xCA00  }
0x213: {  	[tilespmem:s26], [sflag:$0x2] =	stream.linear.gather [hbm4b:s24+s3], $0x400, $0x38;
	[tilespmem:$0x14200] =	vst v63  }
0x214: {  	s23 =	sadd.s32 $0x2DC780, s23;
	s26 =	simm.s32 $0xEA00;
	s24 =	spop (v2sf)  }
0x215: {  	[tilespmem:s26], [sflag:$0x2] =	stream.linear.gather [hbm4b:s23+s3], $0x400, $0x38;
	[tilespmem:$0x14200] =	vst v63  }
0x216: {  	s23 =	sand.u32 $0xFFFFF80, s24  }
0x217: {  	(v2sf) =	vpush v18, $0xD;
	s26 =	simm.s32 $0x8E00;
	s23 =	sadd.s32 s0, s23  }
0x218: {  	[tilespmem:s26], [sflag:$0x2] =	stream.linear.gather [hbm4b:s23+s3], $0x400, $0x38;
	[tilespmem:$0x14200] =	vst v63  }
0x219: {  	s24 =	sadd.s32 $0xF4280, s23;
	s26 =	simm.s32 $0xAE00  }
0x21a: {  	[tilespmem:s26], [sflag:$0x2] =	stream.linear.gather [hbm4b:s24+s3], $0x400, $0x38;
	[tilespmem:$0x14200] =	vst v63  }
0x21b: {  	s24 =	sadd.s32 $0x1E8500, s23;
	s26 =	simm.s32 $0xCE00  }
0x21c: {  	[tilespmem:s26], [sflag:$0x2] =	stream.linear.gather [hbm4b:s24+s3], $0x400, $0x38;
	[tilespmem:$0x14200] =	vst v63  }
0x21d: {  	s23 =	sadd.s32 $0x2DC780, s23;
	s24 =	spop (v2sf)  }
0x21e: {  	[tilespmem:s28], [sflag:$0x2] =	stream.linear.gather [hbm4b:s23+s3], $0x400, $0x38;
	[tilespmem:$0x14200] =	vst v63  }
0x21f: {  	s23 =	sand.u32 $0xFFFFF80, s24  }
0x220: {  	(v2sf) =	vpush v18, $0xE;
	s23 =	sadd.s32 s0, s23  }
0x221: {  	[tilespmem:s29], [sflag:$0x2] =	stream.linear.gather [hbm4b:s23+s3], $0x400, $0x38;
	[tilespmem:$0x14200] =	vst v63  }
0x222: {  	s26 =	sadd.s32 $0xF4280, s23  }
0x223: {  	[tilespmem:s30], [sflag:$0x2] =	stream.linear.gather [hbm4b:s26+s3], $0x400, $0x38;
	[tilespmem:$0x14200] =	vst v63  }
0x224: {  	s26 =	sadd.s32 $0x1E8500, s23  }
0x225: {  	[tilespmem:s31], [sflag:$0x2] =	stream.linear.gather [hbm4b:s26+s3], $0x400, $0x38;
	[tilespmem:$0x14200] =	vst v63  }
0x226: {  	s23 =	sadd.s32 $0x2DC780, s23;
	s24 =	spop (v2sf)  }
0x227: {  	[tilespmem:s1], [sflag:$0x2] =	stream.linear.gather [hbm4b:s23+s3], $0x400, $0x38;
	[tilespmem:$0x14200] =	vst v63  }
0x228: {  	s23 =	sand.u32 $0xFFFFF80, s24  }
0x229: {  	(v2sf) =	vpush v18, $0xF;
	s23 =	sadd.s32 s0, s23  }
0x22a: {  	[tilespmem:s2], [sflag:$0x2] =	stream.linear.gather [hbm4b:s23+s3], $0x400, $0x38;
	[tilespmem:$0x14200] =	vst v63  }
0x22b: {  	s26 =	sadd.s32 $0xF4280, s23  }
0x22c: {  	[tilespmem:s4], [sflag:$0x2] =	stream.linear.gather [hbm4b:s26+s3], $0x400, $0x38;
	[tilespmem:$0x14200] =	vst v63  }
0x22d: {  	s26 =	sadd.s32 $0x1E8500, s23  }
0x22e: {  	[tilespmem:s5], [sflag:$0x2] =	stream.linear.gather [hbm4b:s26+s3], $0x400, $0x38;
	[tilespmem:$0x14200] =	vst v63  }
0x22f: {  	s26 =	spop (v2sf)  }
0x230: {  	s23 =	sadd.s32 $0x2DC780, s23;
	s24 =	sand.u32 $0xFFFFF80, s26  }
0x231: {  	[tilespmem:s6], [sflag:$0x2] =	stream.linear.gather [hbm4b:s23+s3], $0x400, $0x38;
	[tilespmem:$0x14200] =	vst v63  }
0x232: {  	s23 =	sadd.s32 s0, s24  }
0x233: {  	[tilespmem:s7], [sflag:$0x2] =	stream.linear.gather [hbm4b:s23+s3], $0x400, $0x38;
	[tilespmem:$0x14200] =	vst v63  }
0x234: {  	s26 =	sadd.s32 $0xF4280, s23  }
0x235: {  	[tilespmem:s9], [sflag:$0x2] =	stream.linear.gather [hbm4b:s26+s3], $0x400, $0x38;
	[tilespmem:$0x14200] =	vst v63  }
0x236: {  	s26 =	sadd.s32 $0x1E8500, s23  }
0x237: {  	[tilespmem:s10], [sflag:$0x2] =	stream.linear.gather [hbm4b:s26+s3], $0x400, $0x38;
	[tilespmem:$0x14200] =	vst v63  }
0x238: {  	s23 =	sadd.s32 $0x2DC780, s23;
	s24 =	spop (v2sf)  }
0x239: {  	[tilespmem:s11], [sflag:$0x2] =	stream.linear.gather [hbm4b:s23+s3], $0x400, $0x38;
	[tilespmem:$0x14200] =	vst v63  }
0x23a: {  	s23 =	sand.u32 $0xFFFFF80, s24  }
0x23b: {  	s20 =	sadd.s32 $0x10, s20;
	s23 =	sadd.s32 s0, s23  }
0x23c: {  	[tilespmem:s13], [sflag:$0x2] =	stream.linear.gather [hbm4b:s23+s3], $0x400, $0x38;
	[tilespmem:$0x14200] =	vst v63  }
0x23d: {  	p0 =	sne.s32 s20, $0x20F;
	s26 =	sadd.s32 $0xF4280, s23  }
0x23e: {  	[tilespmem:s14], [sflag:$0x2] =	stream.linear.gather [hbm4b:s26+s3], $0x400, $0x38;
	[tilespmem:$0x14200] =	vst v63  }
.Ltmp4:
0x23f: {  	_ = 	snop;
	(pc) =	sbr.rel @p0 .LBB2_2-.Ltmp4, $4  }
.Ltmp5:
0x240: {  	s26 =	sadd.s32 $0x1E8500, s23;
	(pc) =	sbr.rel @!p0 .LBB2_6-.Ltmp5, $4  }
0x241: {  	[tilespmem:s15], [sflag:$0x2] =	stream.linear.gather [hbm4b:s26+s3], $0x400, $0x38;
	[tilespmem:$0x14200] =	vst v63  }
0x242: {  	s22 =	sadd.s32 $0x1, s22;
	s21 =	sadd.s32 $0x10, s21;
	s23 =	sadd.s32 $0x2DC780, s23  }
0x243: {  	[tilespmem:s16], [sflag:$0x2] =	stream.linear.gather [hbm4b:s23+s3], $0x400, $0x38;
	[tilespmem:$0x14200] =	vst v63  }
0x244: {  	_ = 	snop  }
.LBB2_7:
0x245: {  	_ =	sfence.sel $0x180000  }
0x246: {  	[bflag:$0x0] =	sbarrier.arrive $0xFFFF  }
0x247: {  	_ =	strace $0x90000047  }
0x248: {  	s0 =	stileid.u32;
	[bflag:$0x2] =	sbarrier.arrive $0xFFFF  }
0x249: {  	p0 =	sne.s32 s0, $0x0;
	s0 =	rddreg [dreg:$0x3]  }
0x24a: {  	s0 =	sadd.s32 @!p0 $0x100000, s0  }
0x24b: {  	[sflag:s0] =	ssyncadd.tile.s32 @!p0 $0x1;
	_ =	shalt  }
.Lfunc_end2:
_tile_overlayer_lowered:
.L_overlay_start_2:
0x24c: {  	(tag) =	ssettag $0x2  }
0x24d: {  	s0 =	rddreg [dreg:$0x0];
	s2 =	stileid.u32  }
0x24e: {  	s1 =	rddreg [dreg:$0x1];
	p0 =	sne.s32 s2, $0x0  }
0x24f: {  	s3 =	rddreg [dreg:$0x2];
	[bflag:$0x3] =	sbarrier.arrive $0xFFFF;
	s2 =	simm.s32 @!p0 $0x1C03  }
0x250: {  	[timem:s3], [sflag:s2] =	dma.local @!p0 [hbm:s0], s1  }
0x251: {  	s0 =	simm.s32 @!p0 $0x3  }
0x252: {  	_ =	swait.ge @!p0 [sflag:s0], s1  }
0x253: {  	s1 =	ssub.s32 @!p0 $0x0, s1;
	[sflag:s0] =	ssyncset.done @!p0 $0x0  }
0x254: {  	[sflag:s0] =	ssyncadd.s32 @!p0 s1  }
0x255: {  	[bflag:$0x3] =	sbarrier.arrive $0xFFFF  }
0x256: {  	_ =	shalt  }

</sc_bundles>
